<compile_context>
chip_gen: v7x
topology: tpu7x:2x2x1
jax: 0.10.2.dev20260603
libtpu: 0.0.44.dev20260713+nightly
codegen_flags: <defaults>
</compile_context>

<pallas_src>
import functools

import jax
import jax.numpy as jnp
from jax import lax
from jax.experimental import pallas as pl
from jax.experimental.pallas import tpu as pltpu
from jax.experimental.pallas import tpu_sc as plsc

DIM = 64
B = 16384
NEG = 20
J = NEG + 1
NC = 2
NS = 16
NW = NC * NS
BPW = B // NW
QCH = 128
QN = BPW // QCH
LANES = 16


@functools.partial(
    pl.kernel,
    mesh=plsc.VectorSubcoreMesh(core_axis_name="c", subcore_axis_name="s"),
    compiler_params=pltpu.CompilerParams(use_tc_tiling_on_sc=False),
    out_type=jax.ShapeDtypeStruct((NW, J, BPW, LANES), jnp.float32),
    scratch_types=[
        pltpu.VMEM((QN, QCH), jnp.int32),
        pltpu.VMEM((J, QN, QCH), jnp.int32),
        pltpu.VMEM((BPW, DIM), jnp.float32),
        pltpu.VMEM((BPW, DIM), jnp.float32),
        pltpu.VMEM((BPW, LANES), jnp.float32),
        pltpu.SemaphoreType.DMA,
    ],
)
def _sc_partials(tidx_hbm, cn_hbm, wt_hbm, wc_hbm, out_hbm,
                 tidx_v, cidx_v, t_rows, r_buf, psum_v, sem):
    wid = lax.axis_index("s") * NC + lax.axis_index("c")

    pltpu.sync_copy(tidx_hbm.at[wid], tidx_v)
    pltpu.sync_copy(cn_hbm.at[:, wid], cidx_v)

    for q in range(QN):
        pltpu.async_copy(wt_hbm.at[tidx_v.at[q]],
                         t_rows.at[pl.ds(q * QCH, QCH)], sem).wait()

    def j_body(j, carry):
        for q in range(QN):
            pltpu.async_copy(wc_hbm.at[cidx_v.at[j, q]],
                             r_buf.at[pl.ds(q * QCH, QCH)], sem).wait()

        def i_body(i, c):
            acc = t_rows[i, pl.ds(0, LANES)] * r_buf[i, pl.ds(0, LANES)]
            for d in range(1, DIM // LANES):
                acc = acc + (t_rows[i, pl.ds(d * LANES, LANES)]
                             * r_buf[i, pl.ds(d * LANES, LANES)])
            psum_v[i] = acc
            return c

        lax.fori_loop(0, BPW, i_body, carry, unroll=4)
        pltpu.sync_copy(psum_v, out_hbm.at[wid, j])
        return carry

    lax.fori_loop(0, J, j_body, 0)


ROWS = NW * J * BPW
RB = 4096
GRID = ROWS // RB


def _tc_loss_body(s_ref, o_ref, acc_ref):
    g = pl.program_id(0)

    @pl.when(g == 0)
    def _init():
        acc_ref[0] = 0.0

    s = jnp.sum(s_ref[...], axis=1, keepdims=True)
    row = g * RB + lax.broadcasted_iota(jnp.int32, (RB, 1), 0)
    x = jnp.where((row // BPW) % J == 0, -s, s)
    sp = jnp.maximum(x, 0.0) + jnp.log1p(jnp.exp(-jnp.abs(x)))
    acc_ref[0] = acc_ref[0] + jnp.sum(sp)

    @pl.when(g == GRID - 1)
    def _done():
        o_ref[0, 0] = acc_ref[0] * (1.0 / B)


def kernel(target, context, negatives, W_target, W_context):
    tgt = target.astype(jnp.int32)
    cn = jnp.concatenate(
        [context.astype(jnp.int32)[None, :], negatives.astype(jnp.int32).T],
        axis=0)
    tidx = tgt.reshape(NW, QN, QCH)
    cnidx = cn.reshape(J, NW, QN, QCH)

    partials = _sc_partials(tidx, cnidx, W_target, W_context)

    loss = pl.pallas_call(
        _tc_loss_body,
        grid=(GRID,),
        in_specs=[pl.BlockSpec((RB, LANES), lambda g: (g, 0))],
        out_shape=jax.ShapeDtypeStruct((1, 1), jnp.float32),
        out_specs=pl.BlockSpec((1, 1), lambda g: (0, 0),
                               memory_space=pltpu.SMEM),
        scratch_shapes=[pltpu.SMEM((1,), jnp.float32)],
    )(partials.reshape(ROWS, LANES))
    return loss[0, 0]

# --- scband reference (transcript-rebuilt; emitter-appended) ---
"""Pipeline reference for scband-skip-gram-model-63273458205277 (READ-ONLY COPY).

The authoritative reference and input builder live on the scoring server;
editing this copy changes nothing except your own understanding.
"""

import jax, jax.numpy as jnp
import numpy as np

VOCAB = 1000000
DIM = 64
B = 16384
NEG = 20


def setup_inputs(seed: int = 0) -> dict:
    key = jax.random.key(seed)
    k1, k2, k3, k4, k5 = jax.random.split(key, 5)
    target = jax.random.randint(k1, (B,), 0, VOCAB, dtype=jnp.int64) if jax.config.jax_enable_x64 else jax.random.randint(k1, (B,), 0, VOCAB).astype(jnp.int32)
    context = jax.random.randint(k2, (B,), 0, VOCAB).astype(target.dtype)
    negatives = jax.random.randint(k3, (B, NEG), 0, VOCAB).astype(target.dtype)
    bound = 0.5 / DIM
    W_target = jax.random.uniform(k4, (VOCAB, DIM), dtype=jnp.float32, minval=-bound, maxval=bound)
    W_context = jax.random.uniform(k5, (VOCAB, DIM), dtype=jnp.float32, minval=-bound, maxval=bound)
    return {"target": target, "context": context, "negatives": negatives, "W_target": W_target, "W_context": W_context}


def reference(target, context, negatives, W_target, W_context):
    target_emb = jnp.take(W_target, target, axis=0)            # (B, D)
    context_emb = jnp.take(W_context, context, axis=0)         # (B, D)
    pos_score = jnp.sum(target_emb * context_emb, axis=1)      # (B,)
    pos_loss = -jnp.log(jax.nn.sigmoid(pos_score))
    neg_emb = jnp.take(W_context, negatives, axis=0)           # (B, NEG, D)
    neg_score = jnp.einsum('bd,bnd->bn', target_emb, neg_emb)  # (B, NEG)
    neg_loss = -jnp.log(jax.nn.sigmoid(-neg_score))
    loss = pos_loss + jnp.sum(neg_loss, axis=1)
    return jnp.mean(loss)

if __name__ == "__main__":
    import jax
    _d = setup_inputs()
    print(jax.jit(kernel)(*tuple(_d.values())))

</pallas_src>

<mosaic_0001>
#map = affine_map<(d0, d1) -> (0, 0, 0)>
#map1 = affine_map<(d0, d1) -> (0, 0, 0, 0)>
#map2 = affine_map<(d0, d1) -> (0, 0)>
module attributes {stable_mosaic.version = 14 : i64} {
  func.func @_sc_partials(%arg0: i32, %arg1: i32, %arg2: memref<32x4x128xi32, #tpu.memory_space<hbm>>, %arg3: memref<21x32x4x128xi32, #tpu.memory_space<hbm>>, %arg4: memref<1000000x64xf32, #tpu.memory_space<hbm>>, %arg5: memref<1000000x64xf32, #tpu.memory_space<hbm>>, %arg6: memref<32x21x512x16xf32, #tpu.memory_space<hbm>>, %arg7: memref<4x128xi32, #tpu.memory_space<vmem>>, %arg8: memref<21x4x128xi32, #tpu.memory_space<vmem>>, %arg9: memref<512x64xf32, #tpu.memory_space<vmem>>, %arg10: memref<512x64xf32, #tpu.memory_space<vmem>>, %arg11: memref<512x16xf32, #tpu.memory_space<vmem>>, %arg12: memref<!tpu.dma_semaphore, #tpu.memory_space<semaphore_mem>>) attributes {dimension_semantics = [#tpu.dimension_semantics<core_parallel>, #tpu.dimension_semantics<subcore_parallel>], iteration_bounds = array<i64: 2, 16>, scalar_prefetch = 0 : i64, scratch_operands = 6 : i64, tpu.core_type = #tpu.core_type<sc_vector_subcore>, window_params = [{transform_indices = #map}, {transform_indices = #map1}, {transform_indices = #map2}, {transform_indices = #map2}, {transform_indices = #map1}]} {
    %mul3A = arith.constant 2 : i32
    %mul3A_0 = arith.muli %arg1, %mul3A : i32
    %add3A = arith.addi %mul3A_0, %arg0 : i32
    "tpu.region"() ({
      %run_scoped3A = tpu.sem_alloc : memref<!tpu.dma_semaphore, #tpu.memory_space<semaphore_mem>>
      %dma_start3A_84 = arith.constant 0 : i32
      %dma_start3A_85 = arith.constant 0 : i32
      %dma_start3A_86 = tpu.memref_slice %arg2[%add3A, %dma_start3A_84, %dma_start3A_85] : memref<32x4x128xi32, #tpu.memory_space<hbm>> -> memref<1x4x128xi32, #tpu.memory_space<hbm>>
      %dma_start3A_87 = tpu.memref_squeeze %dma_start3A_86 : memref<1x4x128xi32, #tpu.memory_space<hbm>> -> memref<4x128xi32, #tpu.memory_space<hbm>>
      %dma_start3A_88 = arith.constant 0 : i32
      %dma_start3A_89 = arith.constant 0 : i32
      %dma_start3A_90 = tpu.memref_slice %arg2[%add3A, %dma_start3A_88, %dma_start3A_89] : memref<32x4x128xi32, #tpu.memory_space<hbm>> -> memref<1x4x128xi32, #tpu.memory_space<hbm>>
      %dma_start3A_91 = tpu.memref_squeeze %dma_start3A_90 : memref<1x4x128xi32, #tpu.memory_space<hbm>> -> memref<4x128xi32, #tpu.memory_space<hbm>>
      tpu.enqueue_dma source(%dma_start3A_91 : memref<4x128xi32, #tpu.memory_space<hbm>>) target(%arg7 : memref<4x128xi32, #tpu.memory_space<vmem>>) target_semaphore(%run_scoped3A : memref<!tpu.dma_semaphore, #tpu.memory_space<semaphore_mem>>)
      %dma_wait3A_92 = arith.constant 0 : i32
      %dma_wait3A_93 = arith.constant 0 : i32
      %dma_wait3A_94 = tpu.memref_slice %arg2[%add3A, %dma_wait3A_92, %dma_wait3A_93] : memref<32x4x128xi32, #tpu.memory_space<hbm>> -> memref<1x4x128xi32, #tpu.memory_space<hbm>>
      %dma_wait3A_95 = tpu.memref_squeeze %dma_wait3A_94 : memref<1x4x128xi32, #tpu.memory_space<hbm>> -> memref<4x128xi32, #tpu.memory_space<hbm>>
      %dma_wait3A_96 = arith.constant 0 : i32
      %dma_wait3A_97 = arith.constant 0 : i32
      %dma_wait3A_98 = tpu.memref_slice %arg2[%add3A, %dma_wait3A_96, %dma_wait3A_97] : memref<32x4x128xi32, #tpu.memory_space<hbm>> -> memref<1x4x128xi32, #tpu.memory_space<hbm>>
      %dma_wait3A_99 = tpu.memref_squeeze %dma_wait3A_98 : memref<1x4x128xi32, #tpu.memory_space<hbm>> -> memref<4x128xi32, #tpu.memory_space<hbm>>
      tpu.wait_dma2 semaphore(%run_scoped3A : memref<!tpu.dma_semaphore, #tpu.memory_space<semaphore_mem>>) src(%dma_wait3A_99 : memref<4x128xi32, #tpu.memory_space<hbm>>) dst(%arg7 : memref<4x128xi32, #tpu.memory_space<vmem>>)
      tpu.yield
    }) : () -> ()
    "tpu.region"() ({
      %run_scoped3A = tpu.sem_alloc : memref<!tpu.dma_semaphore, #tpu.memory_space<semaphore_mem>>
      %dma_start3A_84 = arith.constant 0 : i32
      %dma_start3A_85 = arith.constant 0 : i32
      %dma_start3A_86 = arith.constant 0 : i32
      %dma_start3A_87 = tpu.memref_slice %arg3[%dma_start3A_84, %add3A, %dma_start3A_85, %dma_start3A_86] : memref<21x32x4x128xi32, #tpu.memory_space<hbm>> -> memref<21x1x4x128xi32, #tpu.memory_space<hbm>>
      %dma_start3A_88 = tpu.memref_squeeze %dma_start3A_87 : memref<21x1x4x128xi32, #tpu.memory_space<hbm>> -> memref<21x4x128xi32, #tpu.memory_space<hbm>>
      %dma_start3A_89 = arith.constant 0 : i32
      %dma_start3A_90 = arith.constant 0 : i32
      %dma_start3A_91 = arith.constant 0 : i32
      %dma_start3A_92 = tpu.memref_slice %arg3[%dma_start3A_89, %add3A, %dma_start3A_90, %dma_start3A_91] : memref<21x32x4x128xi32, #tpu.memory_space<hbm>> -> memref<21x1x4x128xi32, #tpu.memory_space<hbm>>
      %dma_start3A_93 = tpu.memref_squeeze %dma_start3A_92 : memref<21x1x4x128xi32, #tpu.memory_space<hbm>> -> memref<21x4x128xi32, #tpu.memory_space<hbm>>
      tpu.enqueue_dma source(%dma_start3A_93 : memref<21x4x128xi32, #tpu.memory_space<hbm>>) target(%arg8 : memref<21x4x128xi32, #tpu.memory_space<vmem>>) target_semaphore(%run_scoped3A : memref<!tpu.dma_semaphore, #tpu.memory_space<semaphore_mem>>)
      %dma_wait3A_94 = arith.constant 0 : i32
      %dma_wait3A_95 = arith.constant 0 : i32
      %dma_wait3A_96 = arith.constant 0 : i32
      %dma_wait3A_97 = tpu.memref_slice %arg3[%dma_wait3A_94, %add3A, %dma_wait3A_95, %dma_wait3A_96] : memref<21x32x4x128xi32, #tpu.memory_space<hbm>> -> memref<21x1x4x128xi32, #tpu.memory_space<hbm>>
      %dma_wait3A_98 = tpu.memref_squeeze %dma_wait3A_97 : memref<21x1x4x128xi32, #tpu.memory_space<hbm>> -> memref<21x4x128xi32, #tpu.memory_space<hbm>>
      %dma_wait3A_99 = arith.constant 0 : i32
      %dma_wait3A_100 = arith.constant 0 : i32
      %dma_wait3A_101 = arith.constant 0 : i32
      %dma_wait3A_102 = tpu.memref_slice %arg3[%dma_wait3A_99, %add3A, %dma_wait3A_100, %dma_wait3A_101] : memref<21x32x4x128xi32, #tpu.memory_space<hbm>> -> memref<21x1x4x128xi32, #tpu.memory_space<hbm>>
      %dma_wait3A_103 = tpu.memref_squeeze %dma_wait3A_102 : memref<21x1x4x128xi32, #tpu.memory_space<hbm>> -> memref<21x4x128xi32, #tpu.memory_space<hbm>>
      tpu.wait_dma2 semaphore(%run_scoped3A : memref<!tpu.dma_semaphore, #tpu.memory_space<semaphore_mem>>) src(%dma_wait3A_103 : memref<21x4x128xi32, #tpu.memory_space<hbm>>) dst(%arg8 : memref<21x4x128xi32, #tpu.memory_space<vmem>>)
      tpu.yield
    }) : () -> ()
    %dma_start3A = arith.constant 0 : i32
    %dma_start3A_1 = arith.constant 0 : i32
    %dma_start3A_2 = arith.constant 0 : i32
    %dma_start3A_3 = tpu.memref_slice %arg9[%dma_start3A_1, %dma_start3A_2] : memref<512x64xf32, #tpu.memory_space<vmem>> -> memref<128x64xf32, #tpu.memory_space<vmem>>
    %dma_start3A_4 = arith.constant 0 : i32
    %dma_start3A_5 = tpu.memref_slice %arg7[%dma_start3A, %dma_start3A_4] : memref<4x128xi32, #tpu.memory_space<vmem>> -> memref<1x128xi32, #tpu.memory_space<vmem>>
    %dma_start3A_6 = tpu.memref_squeeze %dma_start3A_5 : memref<1x128xi32, #tpu.memory_space<vmem>> -> memref<128xi32, #tpu.memory_space<vmem>>
    %dma_start3A_7 = arith.constant 0 : i32
    %dma_start3A_8 = arith.constant 0 : i32
    %dma_start3A_9 = tpu.memref_slice %arg4[%dma_start3A_7, %dma_start3A_8] : memref<1000000x64xf32, #tpu.memory_space<hbm>> -> memref<1000000x64xf32, #tpu.memory_space<hbm>>
    tpu.enqueue_indirect_dma source(%dma_start3A_9 : memref<1000000x64xf32, #tpu.memory_space<hbm>>) target(%dma_start3A_3 : memref<128x64xf32, #tpu.memory_space<vmem>>) offsets(%dma_start3A_6 : memref<128xi32, #tpu.memory_space<vmem>>) semaphore(%arg12 : memref<!tpu.dma_semaphore, #tpu.memory_space<semaphore_mem>>)
    %dma_wait3A = arith.constant 0 : i32
    %dma_wait3A_10 = arith.constant 0 : i32
    %dma_wait3A_11 = arith.constant 0 : i32
    %dma_wait3A_12 = tpu.memref_slice %arg9[%dma_wait3A_10, %dma_wait3A_11] : memref<512x64xf32, #tpu.memory_space<vmem>> -> memref<128x64xf32, #tpu.memory_space<vmem>>
    %dma_wait3A_13 = arith.constant 0 : i32
    %dma_wait3A_14 = tpu.memref_slice %arg7[%dma_wait3A, %dma_wait3A_13] : memref<4x128xi32, #tpu.memory_space<vmem>> -> memref<1x128xi32, #tpu.memory_space<vmem>>
    %dma_wait3A_15 = tpu.memref_squeeze %dma_wait3A_14 : memref<1x128xi32, #tpu.memory_space<vmem>> -> memref<128xi32, #tpu.memory_space<vmem>>
    %dma_wait3A_16 = arith.constant 0 : i32
    %dma_wait3A_17 = arith.constant 0 : i32
    %dma_wait3A_18 = tpu.memref_slice %arg4[%dma_wait3A_16, %dma_wait3A_17] : memref<1000000x64xf32, #tpu.memory_space<hbm>> -> memref<1000000x64xf32, #tpu.memory_space<hbm>>
    tpu.wait_indirect_dma semaphore(%arg12 : memref<!tpu.dma_semaphore, #tpu.memory_space<semaphore_mem>>) src(%dma_wait3A_18 : memref<1000000x64xf32, #tpu.memory_space<hbm>>) dst(%dma_wait3A_12 : memref<128x64xf32, #tpu.memory_space<vmem>>)
    %dma_start3A_19 = arith.constant 1 : i32
    %dma_start3A_20 = arith.constant 128 : i32
    %dma_start3A_21 = arith.constant 0 : i32
    %dma_start3A_22 = tpu.memref_slice %arg9[%dma_start3A_20, %dma_start3A_21] : memref<512x64xf32, #tpu.memory_space<vmem>> -> memref<128x64xf32, #tpu.memory_space<vmem>>
    %dma_start3A_23 = arith.constant 0 : i32
    %dma_start3A_24 = tpu.memref_slice %arg7[%dma_start3A_19, %dma_start3A_23] : memref<4x128xi32, #tpu.memory_space<vmem>> -> memref<1x128xi32, #tpu.memory_space<vmem>>
    %dma_start3A_25 = tpu.memref_squeeze %dma_start3A_24 : memref<1x128xi32, #tpu.memory_space<vmem>> -> memref<128xi32, #tpu.memory_space<vmem>>
    %dma_start3A_26 = arith.constant 0 : i32
    %dma_start3A_27 = arith.constant 0 : i32
    %dma_start3A_28 = tpu.memref_slice %arg4[%dma_start3A_26, %dma_start3A_27] : memref<1000000x64xf32, #tpu.memory_space<hbm>> -> memref<1000000x64xf32, #tpu.memory_space<hbm>>
    tpu.enqueue_indirect_dma source(%dma_start3A_28 : memref<1000000x64xf32, #tpu.memory_space<hbm>>) target(%dma_start3A_22 : memref<128x64xf32, #tpu.memory_space<vmem>>) offsets(%dma_start3A_25 : memref<128xi32, #tpu.memory_space<vmem>>) semaphore(%arg12 : memref<!tpu.dma_semaphore, #tpu.memory_space<semaphore_mem>>)
    %dma_wait3A_29 = arith.constant 1 : i32
    %dma_wait3A_30 = arith.constant 128 : i32
    %dma_wait3A_31 = arith.constant 0 : i32
    %dma_wait3A_32 = tpu.memref_slice %arg9[%dma_wait3A_30, %dma_wait3A_31] : memref<512x64xf32, #tpu.memory_space<vmem>> -> memref<128x64xf32, #tpu.memory_space<vmem>>
    %dma_wait3A_33 = arith.constant 0 : i32
    %dma_wait3A_34 = tpu.memref_slice %arg7[%dma_wait3A_29, %dma_wait3A_33] : memref<4x128xi32, #tpu.memory_space<vmem>> -> memref<1x128xi32, #tpu.memory_space<vmem>>
    %dma_wait3A_35 = tpu.memref_squeeze %dma_wait3A_34 : memref<1x128xi32, #tpu.memory_space<vmem>> -> memref<128xi32, #tpu.memory_space<vmem>>
    %dma_wait3A_36 = arith.constant 0 : i32
    %dma_wait3A_37 = arith.constant 0 : i32
    %dma_wait3A_38 = tpu.memref_slice %arg4[%dma_wait3A_36, %dma_wait3A_37] : memref<1000000x64xf32, #tpu.memory_space<hbm>> -> memref<1000000x64xf32, #tpu.memory_space<hbm>>
    tpu.wait_indirect_dma semaphore(%arg12 : memref<!tpu.dma_semaphore, #tpu.memory_space<semaphore_mem>>) src(%dma_wait3A_38 : memref<1000000x64xf32, #tpu.memory_space<hbm>>) dst(%dma_wait3A_32 : memref<128x64xf32, #tpu.memory_space<vmem>>)
    %dma_start3A_39 = arith.constant 2 : i32
    %dma_start3A_40 = arith.constant 256 : i32
    %dma_start3A_41 = arith.constant 0 : i32
    %dma_start3A_42 = tpu.memref_slice %arg9[%dma_start3A_40, %dma_start3A_41] : memref<512x64xf32, #tpu.memory_space<vmem>> -> memref<128x64xf32, #tpu.memory_space<vmem>>
    %dma_start3A_43 = arith.constant 0 : i32
    %dma_start3A_44 = tpu.memref_slice %arg7[%dma_start3A_39, %dma_start3A_43] : memref<4x128xi32, #tpu.memory_space<vmem>> -> memref<1x128xi32, #tpu.memory_space<vmem>>
    %dma_start3A_45 = tpu.memref_squeeze %dma_start3A_44 : memref<1x128xi32, #tpu.memory_space<vmem>> -> memref<128xi32, #tpu.memory_space<vmem>>
    %dma_start3A_46 = arith.constant 0 : i32
    %dma_start3A_47 = arith.constant 0 : i32
    %dma_start3A_48 = tpu.memref_slice %arg4[%dma_start3A_46, %dma_start3A_47] : memref<1000000x64xf32, #tpu.memory_space<hbm>> -> memref<1000000x64xf32, #tpu.memory_space<hbm>>
    tpu.enqueue_indirect_dma source(%dma_start3A_48 : memref<1000000x64xf32, #tpu.memory_space<hbm>>) target(%dma_start3A_42 : memref<128x64xf32, #tpu.memory_space<vmem>>) offsets(%dma_start3A_45 : memref<128xi32, #tpu.memory_space<vmem>>) semaphore(%arg12 : memref<!tpu.dma_semaphore, #tpu.memory_space<semaphore_mem>>)
    %dma_wait3A_49 = arith.constant 2 : i32
    %dma_wait3A_50 = arith.constant 256 : i32
    %dma_wait3A_51 = arith.constant 0 : i32
    %dma_wait3A_52 = tpu.memref_slice %arg9[%dma_wait3A_50, %dma_wait3A_51] : memref<512x64xf32, #tpu.memory_space<vmem>> -> memref<128x64xf32, #tpu.memory_space<vmem>>
    %dma_wait3A_53 = arith.constant 0 : i32
    %dma_wait3A_54 = tpu.memref_slice %arg7[%dma_wait3A_49, %dma_wait3A_53] : memref<4x128xi32, #tpu.memory_space<vmem>> -> memref<1x128xi32, #tpu.memory_space<vmem>>
    %dma_wait3A_55 = tpu.memref_squeeze %dma_wait3A_54 : memref<1x128xi32, #tpu.memory_space<vmem>> -> memref<128xi32, #tpu.memory_space<vmem>>
    %dma_wait3A_56 = arith.constant 0 : i32
    %dma_wait3A_57 = arith.constant 0 : i32
    %dma_wait3A_58 = tpu.memref_slice %arg4[%dma_wait3A_56, %dma_wait3A_57] : memref<1000000x64xf32, #tpu.memory_space<hbm>> -> memref<1000000x64xf32, #tpu.memory_space<hbm>>
    tpu.wait_indirect_dma semaphore(%arg12 : memref<!tpu.dma_semaphore, #tpu.memory_space<semaphore_mem>>) src(%dma_wait3A_58 : memref<1000000x64xf32, #tpu.memory_space<hbm>>) dst(%dma_wait3A_52 : memref<128x64xf32, #tpu.memory_space<vmem>>)
    %dma_start3A_59 = arith.constant 3 : i32
    %dma_start3A_60 = arith.constant 384 : i32
    %dma_start3A_61 = arith.constant 0 : i32
    %dma_start3A_62 = tpu.memref_slice %arg9[%dma_start3A_60, %dma_start3A_61] : memref<512x64xf32, #tpu.memory_space<vmem>> -> memref<128x64xf32, #tpu.memory_space<vmem>>
    %dma_start3A_63 = arith.constant 0 : i32
    %dma_start3A_64 = tpu.memref_slice %arg7[%dma_start3A_59, %dma_start3A_63] : memref<4x128xi32, #tpu.memory_space<vmem>> -> memref<1x128xi32, #tpu.memory_space<vmem>>
    %dma_start3A_65 = tpu.memref_squeeze %dma_start3A_64 : memref<1x128xi32, #tpu.memory_space<vmem>> -> memref<128xi32, #tpu.memory_space<vmem>>
    %dma_start3A_66 = arith.constant 0 : i32
    %dma_start3A_67 = arith.constant 0 : i32
    %dma_start3A_68 = tpu.memref_slice %arg4[%dma_start3A_66, %dma_start3A_67] : memref<1000000x64xf32, #tpu.memory_space<hbm>> -> memref<1000000x64xf32, #tpu.memory_space<hbm>>
    tpu.enqueue_indirect_dma source(%dma_start3A_68 : memref<1000000x64xf32, #tpu.memory_space<hbm>>) target(%dma_start3A_62 : memref<128x64xf32, #tpu.memory_space<vmem>>) offsets(%dma_start3A_65 : memref<128xi32, #tpu.memory_space<vmem>>) semaphore(%arg12 : memref<!tpu.dma_semaphore, #tpu.memory_space<semaphore_mem>>)
    %dma_wait3A_69 = arith.constant 3 : i32
    %dma_wait3A_70 = arith.constant 384 : i32
    %dma_wait3A_71 = arith.constant 0 : i32
    %dma_wait3A_72 = tpu.memref_slice %arg9[%dma_wait3A_70, %dma_wait3A_71] : memref<512x64xf32, #tpu.memory_space<vmem>> -> memref<128x64xf32, #tpu.memory_space<vmem>>
    %dma_wait3A_73 = arith.constant 0 : i32
    %dma_wait3A_74 = tpu.memref_slice %arg7[%dma_wait3A_69, %dma_wait3A_73] : memref<4x128xi32, #tpu.memory_space<vmem>> -> memref<1x128xi32, #tpu.memory_space<vmem>>
    %dma_wait3A_75 = tpu.memref_squeeze %dma_wait3A_74 : memref<1x128xi32, #tpu.memory_space<vmem>> -> memref<128xi32, #tpu.memory_space<vmem>>
    %dma_wait3A_76 = arith.constant 0 : i32
    %dma_wait3A_77 = arith.constant 0 : i32
    %dma_wait3A_78 = tpu.memref_slice %arg4[%dma_wait3A_76, %dma_wait3A_77] : memref<1000000x64xf32, #tpu.memory_space<hbm>> -> memref<1000000x64xf32, #tpu.memory_space<hbm>>
    tpu.wait_indirect_dma semaphore(%arg12 : memref<!tpu.dma_semaphore, #tpu.memory_space<semaphore_mem>>) src(%dma_wait3A_78 : memref<1000000x64xf32, #tpu.memory_space<hbm>>) dst(%dma_wait3A_72 : memref<128x64xf32, #tpu.memory_space<vmem>>)
    %scan3A = arith.constant 0 : i32
    %scan3A_79 = arith.constant 0 : i32
    %scan3A_80 = arith.constant 21 : i32
    %scan3A_81 = arith.addi %scan3A_79, %scan3A_80 : i32
    %scan3A_82 = arith.constant 1 : i32
    scf.for %scan3A_84 = %scan3A_79 to %scan3A_81 step %scan3A_82  : i32 {
      %dma_start3A_85 = arith.constant 0 : i32
      %dma_start3A_86 = arith.constant 0 : i32
      %dma_start3A_87 = arith.constant 0 : i32
      %dma_start3A_88 = tpu.memref_slice %arg10[%dma_start3A_86, %dma_start3A_87] : memref<512x64xf32, #tpu.memory_space<vmem>> -> memref<128x64xf32, #tpu.memory_space<vmem>>
      %dma_start3A_89 = arith.constant 0 : i32
      %dma_start3A_90 = tpu.memref_slice %arg8[%scan3A_84, %dma_start3A_85, %dma_start3A_89] : memref<21x4x128xi32, #tpu.memory_space<vmem>> -> memref<1x1x128xi32, #tpu.memory_space<vmem>>
      %dma_start3A_91 = tpu.memref_squeeze %dma_start3A_90 : memref<1x1x128xi32, #tpu.memory_space<vmem>> -> memref<128xi32, #tpu.memory_space<vmem>>
      %dma_start3A_92 = arith.constant 0 : i32
      %dma_start3A_93 = arith.constant 0 : i32
      %dma_start3A_94 = tpu.memref_slice %arg5[%dma_start3A_92, %dma_start3A_93] : memref<1000000x64xf32, #tpu.memory_space<hbm>> -> memref<1000000x64xf32, #tpu.memory_space<hbm>>
      tpu.enqueue_indirect_dma source(%dma_start3A_94 : memref<1000000x64xf32, #tpu.memory_space<hbm>>) target(%dma_start3A_88 : memref<128x64xf32, #tpu.memory_space<vmem>>) offsets(%dma_start3A_91 : memref<128xi32, #tpu.memory_space<vmem>>) semaphore(%arg12 : memref<!tpu.dma_semaphore, #tpu.memory_space<semaphore_mem>>)
      %dma_wait3A_95 = arith.constant 0 : i32
      %dma_wait3A_96 = arith.constant 0 : i32
      %dma_wait3A_97 = arith.constant 0 : i32
      %dma_wait3A_98 = tpu.memref_slice %arg10[%dma_wait3A_96, %dma_wait3A_97] : memref<512x64xf32, #tpu.memory_space<vmem>> -> memref<128x64xf32, #tpu.memory_space<vmem>>
      %dma_wait3A_99 = arith.constant 0 : i32
      %dma_wait3A_100 = tpu.memref_slice %arg8[%scan3A_84, %dma_wait3A_95, %dma_wait3A_99] : memref<21x4x128xi32, #tpu.memory_space<vmem>> -> memref<1x1x128xi32, #tpu.memory_space<vmem>>
      %dma_wait3A_101 = tpu.memref_squeeze %dma_wait3A_100 : memref<1x1x128xi32, #tpu.memory_space<vmem>> -> memref<128xi32, #tpu.memory_space<vmem>>
      %dma_wait3A_102 = arith.constant 0 : i32
      %dma_wait3A_103 = arith.constant 0 : i32
      %dma_wait3A_104 = tpu.memref_slice %arg5[%dma_wait3A_102, %dma_wait3A_103] : memref<1000000x64xf32, #tpu.memory_space<hbm>> -> memref<1000000x64xf32, #tpu.memory_space<hbm>>
      tpu.wait_indirect_dma semaphore(%arg12 : memref<!tpu.dma_semaphore, #tpu.memory_space<semaphore_mem>>) src(%dma_wait3A_104 : memref<1000000x64xf32, #tpu.memory_space<hbm>>) dst(%dma_wait3A_98 : memref<128x64xf32, #tpu.memory_space<vmem>>)
      %dma_start3A_105 = arith.constant 1 : i32
      %dma_start3A_106 = arith.constant 128 : i32
      %dma_start3A_107 = arith.constant 0 : i32
      %dma_start3A_108 = tpu.memref_slice %arg10[%dma_start3A_106, %dma_start3A_107] : memref<512x64xf32, #tpu.memory_space<vmem>> -> memref<128x64xf32, #tpu.memory_space<vmem>>
      %dma_start3A_109 = arith.constant 0 : i32
      %dma_start3A_110 = tpu.memref_slice %arg8[%scan3A_84, %dma_start3A_105, %dma_start3A_109] : memref<21x4x128xi32, #tpu.memory_space<vmem>> -> memref<1x1x128xi32, #tpu.memory_space<vmem>>
      %dma_start3A_111 = tpu.memref_squeeze %dma_start3A_110 : memref<1x1x128xi32, #tpu.memory_space<vmem>> -> memref<128xi32, #tpu.memory_space<vmem>>
      %dma_start3A_112 = arith.constant 0 : i32
      %dma_start3A_113 = arith.constant 0 : i32
      %dma_start3A_114 = tpu.memref_slice %arg5[%dma_start3A_112, %dma_start3A_113] : memref<1000000x64xf32, #tpu.memory_space<hbm>> -> memref<1000000x64xf32, #tpu.memory_space<hbm>>
      tpu.enqueue_indirect_dma source(%dma_start3A_114 : memref<1000000x64xf32, #tpu.memory_space<hbm>>) target(%dma_start3A_108 : memref<128x64xf32, #tpu.memory_space<vmem>>) offsets(%dma_start3A_111 : memref<128xi32, #tpu.memory_space<vmem>>) semaphore(%arg12 : memref<!tpu.dma_semaphore, #tpu.memory_space<semaphore_mem>>)
      %dma_wait3A_115 = arith.constant 1 : i32
      %dma_wait3A_116 = arith.constant 128 : i32
      %dma_wait3A_117 = arith.constant 0 : i32
      %dma_wait3A_118 = tpu.memref_slice %arg10[%dma_wait3A_116, %dma_wait3A_117] : memref<512x64xf32, #tpu.memory_space<vmem>> -> memref<128x64xf32, #tpu.memory_space<vmem>>
      %dma_wait3A_119 = arith.constant 0 : i32
      %dma_wait3A_120 = tpu.memref_slice %arg8[%scan3A_84, %dma_wait3A_115, %dma_wait3A_119] : memref<21x4x128xi32, #tpu.memory_space<vmem>> -> memref<1x1x128xi32, #tpu.memory_space<vmem>>
      %dma_wait3A_121 = tpu.memref_squeeze %dma_wait3A_120 : memref<1x1x128xi32, #tpu.memory_space<vmem>> -> memref<128xi32, #tpu.memory_space<vmem>>
      %dma_wait3A_122 = arith.constant 0 : i32
      %dma_wait3A_123 = arith.constant 0 : i32
      %dma_wait3A_124 = tpu.memref_slice %arg5[%dma_wait3A_122, %dma_wait3A_123] : memref<1000000x64xf32, #tpu.memory_space<hbm>> -> memref<1000000x64xf32, #tpu.memory_space<hbm>>
      tpu.wait_indirect_dma semaphore(%arg12 : memref<!tpu.dma_semaphore, #tpu.memory_space<semaphore_mem>>) src(%dma_wait3A_124 : memref<1000000x64xf32, #tpu.memory_space<hbm>>) dst(%dma_wait3A_118 : memref<128x64xf32, #tpu.memory_space<vmem>>)
      %dma_start3A_125 = arith.constant 2 : i32
      %dma_start3A_126 = arith.constant 256 : i32
      %dma_start3A_127 = arith.constant 0 : i32
      %dma_start3A_128 = tpu.memref_slice %arg10[%dma_start3A_126, %dma_start3A_127] : memref<512x64xf32, #tpu.memory_space<vmem>> -> memref<128x64xf32, #tpu.memory_space<vmem>>
      %dma_start3A_129 = arith.constant 0 : i32
      %dma_start3A_130 = tpu.memref_slice %arg8[%scan3A_84, %dma_start3A_125, %dma_start3A_129] : memref<21x4x128xi32, #tpu.memory_space<vmem>> -> memref<1x1x128xi32, #tpu.memory_space<vmem>>
      %dma_start3A_131 = tpu.memref_squeeze %dma_start3A_130 : memref<1x1x128xi32, #tpu.memory_space<vmem>> -> memref<128xi32, #tpu.memory_space<vmem>>
      %dma_start3A_132 = arith.constant 0 : i32
      %dma_start3A_133 = arith.constant 0 : i32
      %dma_start3A_134 = tpu.memref_slice %arg5[%dma_start3A_132, %dma_start3A_133] : memref<1000000x64xf32, #tpu.memory_space<hbm>> -> memref<1000000x64xf32, #tpu.memory_space<hbm>>
      tpu.enqueue_indirect_dma source(%dma_start3A_134 : memref<1000000x64xf32, #tpu.memory_space<hbm>>) target(%dma_start3A_128 : memref<128x64xf32, #tpu.memory_space<vmem>>) offsets(%dma_start3A_131 : memref<128xi32, #tpu.memory_space<vmem>>) semaphore(%arg12 : memref<!tpu.dma_semaphore, #tpu.memory_space<semaphore_mem>>)
      %dma_wait3A_135 = arith.constant 2 : i32
      %dma_wait3A_136 = arith.constant 256 : i32
      %dma_wait3A_137 = arith.constant 0 : i32
      %dma_wait3A_138 = tpu.memref_slice %arg10[%dma_wait3A_136, %dma_wait3A_137] : memref<512x64xf32, #tpu.memory_space<vmem>> -> memref<128x64xf32, #tpu.memory_space<vmem>>
      %dma_wait3A_139 = arith.constant 0 : i32
      %dma_wait3A_140 = tpu.memref_slice %arg8[%scan3A_84, %dma_wait3A_135, %dma_wait3A_139] : memref<21x4x128xi32, #tpu.memory_space<vmem>> -> memref<1x1x128xi32, #tpu.memory_space<vmem>>
      %dma_wait3A_141 = tpu.memref_squeeze %dma_wait3A_140 : memref<1x1x128xi32, #tpu.memory_space<vmem>> -> memref<128xi32, #tpu.memory_space<vmem>>
      %dma_wait3A_142 = arith.constant 0 : i32
      %dma_wait3A_143 = arith.constant 0 : i32
      %dma_wait3A_144 = tpu.memref_slice %arg5[%dma_wait3A_142, %dma_wait3A_143] : memref<1000000x64xf32, #tpu.memory_space<hbm>> -> memref<1000000x64xf32, #tpu.memory_space<hbm>>
      tpu.wait_indirect_dma semaphore(%arg12 : memref<!tpu.dma_semaphore, #tpu.memory_space<semaphore_mem>>) src(%dma_wait3A_144 : memref<1000000x64xf32, #tpu.memory_space<hbm>>) dst(%dma_wait3A_138 : memref<128x64xf32, #tpu.memory_space<vmem>>)
      %dma_start3A_145 = arith.constant 3 : i32
      %dma_start3A_146 = arith.constant 384 : i32
      %dma_start3A_147 = arith.constant 0 : i32
      %dma_start3A_148 = tpu.memref_slice %arg10[%dma_start3A_146, %dma_start3A_147] : memref<512x64xf32, #tpu.memory_space<vmem>> -> memref<128x64xf32, #tpu.memory_space<vmem>>
      %dma_start3A_149 = arith.constant 0 : i32
      %dma_start3A_150 = tpu.memref_slice %arg8[%scan3A_84, %dma_start3A_145, %dma_start3A_149] : memref<21x4x128xi32, #tpu.memory_space<vmem>> -> memref<1x1x128xi32, #tpu.memory_space<vmem>>
      %dma_start3A_151 = tpu.memref_squeeze %dma_start3A_150 : memref<1x1x128xi32, #tpu.memory_space<vmem>> -> memref<128xi32, #tpu.memory_space<vmem>>
      %dma_start3A_152 = arith.constant 0 : i32
      %dma_start3A_153 = arith.constant 0 : i32
      %dma_start3A_154 = tpu.memref_slice %arg5[%dma_start3A_152, %dma_start3A_153] : memref<1000000x64xf32, #tpu.memory_space<hbm>> -> memref<1000000x64xf32, #tpu.memory_space<hbm>>
      tpu.enqueue_indirect_dma source(%dma_start3A_154 : memref<1000000x64xf32, #tpu.memory_space<hbm>>) target(%dma_start3A_148 : memref<128x64xf32, #tpu.memory_space<vmem>>) offsets(%dma_start3A_151 : memref<128xi32, #tpu.memory_space<vmem>>) semaphore(%arg12 : memref<!tpu.dma_semaphore, #tpu.memory_space<semaphore_mem>>)
      %dma_wait3A_155 = arith.constant 3 : i32
      %dma_wait3A_156 = arith.constant 384 : i32
      %dma_wait3A_157 = arith.constant 0 : i32
      %dma_wait3A_158 = tpu.memref_slice %arg10[%dma_wait3A_156, %dma_wait3A_157] : memref<512x64xf32, #tpu.memory_space<vmem>> -> memref<128x64xf32, #tpu.memory_space<vmem>>
      %dma_wait3A_159 = arith.constant 0 : i32
      %dma_wait3A_160 = tpu.memref_slice %arg8[%scan3A_84, %dma_wait3A_155, %dma_wait3A_159] : memref<21x4x128xi32, #tpu.memory_space<vmem>> -> memref<1x1x128xi32, #tpu.memory_space<vmem>>
      %dma_wait3A_161 = tpu.memref_squeeze %dma_wait3A_160 : memref<1x1x128xi32, #tpu.memory_space<vmem>> -> memref<128xi32, #tpu.memory_space<vmem>>
      %dma_wait3A_162 = arith.constant 0 : i32
      %dma_wait3A_163 = arith.constant 0 : i32
      %dma_wait3A_164 = tpu.memref_slice %arg5[%dma_wait3A_162, %dma_wait3A_163] : memref<1000000x64xf32, #tpu.memory_space<hbm>> -> memref<1000000x64xf32, #tpu.memory_space<hbm>>
      tpu.wait_indirect_dma semaphore(%arg12 : memref<!tpu.dma_semaphore, #tpu.memory_space<semaphore_mem>>) src(%dma_wait3A_164 : memref<1000000x64xf32, #tpu.memory_space<hbm>>) dst(%dma_wait3A_158 : memref<128x64xf32, #tpu.memory_space<vmem>>)
      %scan3A_165 = arith.constant 0 : i32
      %scan3A_166 = arith.constant 512 : i32
      %scan3A_167 = arith.addi %scan3A_165, %scan3A_166 : i32
      %scan3A_168 = arith.constant 4 : i32
      scf.for %scan3A_170 = %scan3A_165 to %scan3A_167 step %scan3A_168  : i32 {
        %get3A = arith.index_cast %scan3A_170 : i32 to index
        %get3A_171 = arith.constant 0 : index
        %get3A_172 = tpu.vector_load %arg9[%get3A, %get3A_171] {strides = array<i32>} : memref<512x64xf32, #tpu.memory_space<vmem>>, vector<1x16xf32>,
        %get3A_173 = vector.shape_cast %get3A_172 : vector<1x16xf32> to vector<16xf32>
        %get3A_174 = arith.index_cast %scan3A_170 : i32 to index
        %get3A_175 = arith.constant 0 : index
        %get3A_176 = tpu.vector_load %arg10[%get3A_174, %get3A_175] {strides = array<i32>} : memref<512x64xf32, #tpu.memory_space<vmem>>, vector<1x16xf32>,
        %get3A_177 = vector.shape_cast %get3A_176 : vector<1x16xf32> to vector<16xf32>
        %mul3A_178 = arith.mulf %get3A_173, %get3A_177 : vector<16xf32>
        %get3A_179 = arith.index_cast %scan3A_170 : i32 to index
        %get3A_180 = arith.constant 16 : index
        %get3A_181 = tpu.vector_load %arg9[%get3A_179, %get3A_180] {strides = array<i32>} : memref<512x64xf32, #tpu.memory_space<vmem>>, vector<1x16xf32>,
        %get3A_182 = vector.shape_cast %get3A_181 : vector<1x16xf32> to vector<16xf32>
        %get3A_183 = arith.index_cast %scan3A_170 : i32 to index
        %get3A_184 = arith.constant 16 : index
        %get3A_185 = tpu.vector_load %arg10[%get3A_183, %get3A_184] {strides = array<i32>} : memref<512x64xf32, #tpu.memory_space<vmem>>, vector<1x16xf32>,
        %get3A_186 = vector.shape_cast %get3A_185 : vector<1x16xf32> to vector<16xf32>
        %mul3A_187 = arith.mulf %get3A_182, %get3A_186 : vector<16xf32>
        %add3A_188 = arith.addf %mul3A_178, %mul3A_187 : vector<16xf32>
        %get3A_189 = arith.index_cast %scan3A_170 : i32 to index
        %get3A_190 = arith.constant 32 : index
        %get3A_191 = tpu.vector_load %arg9[%get3A_189, %get3A_190] {strides = array<i32>} : memref<512x64xf32, #tpu.memory_space<vmem>>, vector<1x16xf32>,
        %get3A_192 = vector.shape_cast %get3A_191 : vector<1x16xf32> to vector<16xf32>
        %get3A_193 = arith.index_cast %scan3A_170 : i32 to index
        %get3A_194 = arith.constant 32 : index
        %get3A_195 = tpu.vector_load %arg10[%get3A_193, %get3A_194] {strides = array<i32>} : memref<512x64xf32, #tpu.memory_space<vmem>>, vector<1x16xf32>,
        %get3A_196 = vector.shape_cast %get3A_195 : vector<1x16xf32> to vector<16xf32>
        %mul3A_197 = arith.mulf %get3A_192, %get3A_196 : vector<16xf32>
        %add3A_198 = arith.addf %add3A_188, %mul3A_197 : vector<16xf32>
        %get3A_199 = arith.index_cast %scan3A_170 : i32 to index
        %get3A_200 = arith.constant 48 : index
        %get3A_201 = tpu.vector_load %arg9[%get3A_199, %get3A_200] {strides = array<i32>} : memref<512x64xf32, #tpu.memory_space<vmem>>, vector<1x16xf32>,
        %get3A_202 = vector.shape_cast %get3A_201 : vector<1x16xf32> to vector<16xf32>
        %get3A_203 = arith.index_cast %scan3A_170 : i32 to index
        %get3A_204 = arith.constant 48 : index
        %get3A_205 = tpu.vector_load %arg10[%get3A_203, %get3A_204] {strides = array<i32>} : memref<512x64xf32, #tpu.memory_space<vmem>>, vector<1x16xf32>,
        %get3A_206 = vector.shape_cast %get3A_205 : vector<1x16xf32> to vector<16xf32>
        %mul3A_207 = arith.mulf %get3A_202, %get3A_206 : vector<16xf32>
        %add3A_208 = arith.addf %add3A_198, %mul3A_207 : vector<16xf32>
        %swap3A = arith.index_cast %scan3A_170 : i32 to index
        %swap3A_209 = arith.constant 0 : index
        %swap3A_210 = tpu.vector_load %arg11[%swap3A, %swap3A_209] {strides = array<i32>} : memref<512x16xf32, #tpu.memory_space<vmem>>, vector<1x16xf32>,
        %swap3A_211 = vector.shape_cast %swap3A_210 : vector<1x16xf32> to vector<16xf32>
        %swap3A_212 = vector.shape_cast %add3A_208 : vector<16xf32> to vector<1x16xf32>
        tpu.vector_store %arg11[%swap3A, %swap3A_209], %swap3A_212 {strides = array<i32>} : memref<512x16xf32, #tpu.memory_space<vmem>>, vector<1x16xf32>,
        %scan3A_213 = arith.constant 1 : i32
        %scan3A_214 = arith.addi %scan3A_170, %scan3A_213 : i32
        %get3A_215 = arith.index_cast %scan3A_214 : i32 to index
        %get3A_216 = arith.constant 0 : index
        %get3A_217 = tpu.vector_load %arg9[%get3A_215, %get3A_216] {strides = array<i32>} : memref<512x64xf32, #tpu.memory_space<vmem>>, vector<1x16xf32>,
        %get3A_218 = vector.shape_cast %get3A_217 : vector<1x16xf32> to vector<16xf32>
        %get3A_219 = arith.index_cast %scan3A_214 : i32 to index
        %get3A_220 = arith.constant 0 : index
        %get3A_221 = tpu.vector_load %arg10[%get3A_219, %get3A_220] {strides = array<i32>} : memref<512x64xf32, #tpu.memory_space<vmem>>, vector<1x16xf32>,
        %get3A_222 = vector.shape_cast %get3A_221 : vector<1x16xf32> to vector<16xf32>
        %mul3A_223 = arith.mulf %get3A_218, %get3A_222 : vector<16xf32>
        %get3A_224 = arith.index_cast %scan3A_214 : i32 to index
        %get3A_225 = arith.constant 16 : index
        %get3A_226 = tpu.vector_load %arg9[%get3A_224, %get3A_225] {strides = array<i32>} : memref<512x64xf32, #tpu.memory_space<vmem>>, vector<1x16xf32>,
        %get3A_227 = vector.shape_cast %get3A_226 : vector<1x16xf32> to vector<16xf32>
        %get3A_228 = arith.index_cast %scan3A_214 : i32 to index
        %get3A_229 = arith.constant 16 : index
        %get3A_230 = tpu.vector_load %arg10[%get3A_228, %get3A_229] {strides = array<i32>} : memref<512x64xf32, #tpu.memory_space<vmem>>, vector<1x16xf32>,
        %get3A_231 = vector.shape_cast %get3A_230 : vector<1x16xf32> to vector<16xf32>
        %mul3A_232 = arith.mulf %get3A_227, %get3A_231 : vector<16xf32>
        %add3A_233 = arith.addf %mul3A_223, %mul3A_232 : vector<16xf32>
        %get3A_234 = arith.index_cast %scan3A_214 : i32 to index
        %get3A_235 = arith.constant 32 : index
        %get3A_236 = tpu.vector_load %arg9[%get3A_234, %get3A_235] {strides = array<i32>} : memref<512x64xf32, #tpu.memory_space<vmem>>, vector<1x16xf32>,
        %get3A_237 = vector.shape_cast %get3A_236 : vector<1x16xf32> to vector<16xf32>
        %get3A_238 = arith.index_cast %scan3A_214 : i32 to index
        %get3A_239 = arith.constant 32 : index
        %get3A_240 = tpu.vector_load %arg10[%get3A_238, %get3A_239] {strides = array<i32>} : memref<512x64xf32, #tpu.memory_space<vmem>>, vector<1x16xf32>,
        %get3A_241 = vector.shape_cast %get3A_240 : vector<1x16xf32> to vector<16xf32>
        %mul3A_242 = arith.mulf %get3A_237, %get3A_241 : vector<16xf32>
        %add3A_243 = arith.addf %add3A_233, %mul3A_242 : vector<16xf32>
        %get3A_244 = arith.index_cast %scan3A_214 : i32 to index
        %get3A_245 = arith.constant 48 : index
        %get3A_246 = tpu.vector_load %arg9[%get3A_244, %get3A_245] {strides = array<i32>} : memref<512x64xf32, #tpu.memory_space<vmem>>, vector<1x16xf32>,
        %get3A_247 = vector.shape_cast %get3A_246 : vector<1x16xf32> to vector<16xf32>
        %get3A_248 = arith.index_cast %scan3A_214 : i32 to index
        %get3A_249 = arith.constant 48 : index
        %get3A_250 = tpu.vector_load %arg10[%get3A_248, %get3A_249] {strides = array<i32>} : memref<512x64xf32, #tpu.memory_space<vmem>>, vector<1x16xf32>,
        %get3A_251 = vector.shape_cast %get3A_250 : vector<1x16xf32> to vector<16xf32>
        %mul3A_252 = arith.mulf %get3A_247, %get3A_251 : vector<16xf32>
        %add3A_253 = arith.addf %add3A_243, %mul3A_252 : vector<16xf32>
        %swap3A_254 = arith.index_cast %scan3A_214 : i32 to index
        %swap3A_255 = arith.constant 0 : index
        %swap3A_256 = tpu.vector_load %arg11[%swap3A_254, %swap3A_255] {strides = array<i32>} : memref<512x16xf32, #tpu.memory_space<vmem>>, vector<1x16xf32>,
        %swap3A_257 = vector.shape_cast %swap3A_256 : vector<1x16xf32> to vector<16xf32>
        %swap3A_258 = vector.shape_cast %add3A_253 : vector<16xf32> to vector<1x16xf32>
        tpu.vector_store %arg11[%swap3A_254, %swap3A_255], %swap3A_258 {strides = array<i32>} : memref<512x16xf32, #tpu.memory_space<vmem>>, vector<1x16xf32>,
        %scan3A_259 = arith.constant 2 : i32
        %scan3A_260 = arith.addi %scan3A_170, %scan3A_259 : i32
        %get3A_261 = arith.index_cast %scan3A_260 : i32 to index
        %get3A_262 = arith.constant 0 : index
        %get3A_263 = tpu.vector_load %arg9[%get3A_261, %get3A_262] {strides = array<i32>} : memref<512x64xf32, #tpu.memory_space<vmem>>, vector<1x16xf32>,
        %get3A_264 = vector.shape_cast %get3A_263 : vector<1x16xf32> to vector<16xf32>
        %get3A_265 = arith.index_cast %scan3A_260 : i32 to index
        %get3A_266 = arith.constant 0 : index
        %get3A_267 = tpu.vector_load %arg10[%get3A_265, %get3A_266] {strides = array<i32>} : memref<512x64xf32, #tpu.memory_space<vmem>>, vector<1x16xf32>,
        %get3A_268 = vector.shape_cast %get3A_267 : vector<1x16xf32> to vector<16xf32>
        %mul3A_269 = arith.mulf %get3A_264, %get3A_268 : vector<16xf32>
        %get3A_270 = arith.index_cast %scan3A_260 : i32 to index
        %get3A_271 = arith.constant 16 : index
        %get3A_272 = tpu.vector_load %arg9[%get3A_270, %get3A_271] {strides = array<i32>} : memref<512x64xf32, #tpu.memory_space<vmem>>, vector<1x16xf32>,
        %get3A_273 = vector.shape_cast %get3A_272 : vector<1x16xf32> to vector<16xf32>
        %get3A_274 = arith.index_cast %scan3A_260 : i32 to index
        %get3A_275 = arith.constant 16 : index
        %get3A_276 = tpu.vector_load %arg10[%get3A_274, %get3A_275] {strides = array<i32>} : memref<512x64xf32, #tpu.memory_space<vmem>>, vector<1x16xf32>,
        %get3A_277 = vector.shape_cast %get3A_276 : vector<1x16xf32> to vector<16xf32>
        %mul3A_278 = arith.mulf %get3A_273, %get3A_277 : vector<16xf32>
        %add3A_279 = arith.addf %mul3A_269, %mul3A_278 : vector<16xf32>
        %get3A_280 = arith.index_cast %scan3A_260 : i32 to index
        %get3A_281 = arith.constant 32 : index
        %get3A_282 = tpu.vector_load %arg9[%get3A_280, %get3A_281] {strides = array<i32>} : memref<512x64xf32, #tpu.memory_space<vmem>>, vector<1x16xf32>,
        %get3A_283 = vector.shape_cast %get3A_282 : vector<1x16xf32> to vector<16xf32>
        %get3A_284 = arith.index_cast %scan3A_260 : i32 to index
        %get3A_285 = arith.constant 32 : index
        %get3A_286 = tpu.vector_load %arg10[%get3A_284, %get3A_285] {strides = array<i32>} : memref<512x64xf32, #tpu.memory_space<vmem>>, vector<1x16xf32>,
        %get3A_287 = vector.shape_cast %get3A_286 : vector<1x16xf32> to vector<16xf32>
        %mul3A_288 = arith.mulf %get3A_283, %get3A_287 : vector<16xf32>
        %add3A_289 = arith.addf %add3A_279, %mul3A_288 : vector<16xf32>
        %get3A_290 = arith.index_cast %scan3A_260 : i32 to index
        %get3A_291 = arith.constant 48 : index
        %get3A_292 = tpu.vector_load %arg9[%get3A_290, %get3A_291] {strides = array<i32>} : memref<512x64xf32, #tpu.memory_space<vmem>>, vector<1x16xf32>,
        %get3A_293 = vector.shape_cast %get3A_292 : vector<1x16xf32> to vector<16xf32>
        %get3A_294 = arith.index_cast %scan3A_260 : i32 to index
        %get3A_295 = arith.constant 48 : index
        %get3A_296 = tpu.vector_load %arg10[%get3A_294, %get3A_295] {strides = array<i32>} : memref<512x64xf32, #tpu.memory_space<vmem>>, vector<1x16xf32>,
        %get3A_297 = vector.shape_cast %get3A_296 : vector<1x16xf32> to vector<16xf32>
        %mul3A_298 = arith.mulf %get3A_293, %get3A_297 : vector<16xf32>
        %add3A_299 = arith.addf %add3A_289, %mul3A_298 : vector<16xf32>
        %swap3A_300 = arith.index_cast %scan3A_260 : i32 to index
        %swap3A_301 = arith.constant 0 : index
        %swap3A_302 = tpu.vector_load %arg11[%swap3A_300, %swap3A_301] {strides = array<i32>} : memref<512x16xf32, #tpu.memory_space<vmem>>, vector<1x16xf32>,
        %swap3A_303 = vector.shape_cast %swap3A_302 : vector<1x16xf32> to vector<16xf32>
        %swap3A_304 = vector.shape_cast %add3A_299 : vector<16xf32> to vector<1x16xf32>
        tpu.vector_store %arg11[%swap3A_300, %swap3A_301], %swap3A_304 {strides = array<i32>} : memref<512x16xf32, #tpu.memory_space<vmem>>, vector<1x16xf32>,
        %scan3A_305 = arith.constant 3 : i32
        %scan3A_306 = arith.addi %scan3A_170, %scan3A_305 : i32
        %get3A_307 = arith.index_cast %scan3A_306 : i32 to index
        %get3A_308 = arith.constant 0 : index
        %get3A_309 = tpu.vector_load %arg9[%get3A_307, %get3A_308] {strides = array<i32>} : memref<512x64xf32, #tpu.memory_space<vmem>>, vector<1x16xf32>,
        %get3A_310 = vector.shape_cast %get3A_309 : vector<1x16xf32> to vector<16xf32>
        %get3A_311 = arith.index_cast %scan3A_306 : i32 to index
        %get3A_312 = arith.constant 0 : index
        %get3A_313 = tpu.vector_load %arg10[%get3A_311, %get3A_312] {strides = array<i32>} : memref<512x64xf32, #tpu.memory_space<vmem>>, vector<1x16xf32>,
        %get3A_314 = vector.shape_cast %get3A_313 : vector<1x16xf32> to vector<16xf32>
        %mul3A_315 = arith.mulf %get3A_310, %get3A_314 : vector<16xf32>
        %get3A_316 = arith.index_cast %scan3A_306 : i32 to index
        %get3A_317 = arith.constant 16 : index
        %get3A_318 = tpu.vector_load %arg9[%get3A_316, %get3A_317] {strides = array<i32>} : memref<512x64xf32, #tpu.memory_space<vmem>>, vector<1x16xf32>,
        %get3A_319 = vector.shape_cast %get3A_318 : vector<1x16xf32> to vector<16xf32>
        %get3A_320 = arith.index_cast %scan3A_306 : i32 to index
        %get3A_321 = arith.constant 16 : index
        %get3A_322 = tpu.vector_load %arg10[%get3A_320, %get3A_321] {strides = array<i32>} : memref<512x64xf32, #tpu.memory_space<vmem>>, vector<1x16xf32>,
        %get3A_323 = vector.shape_cast %get3A_322 : vector<1x16xf32> to vector<16xf32>
        %mul3A_324 = arith.mulf %get3A_319, %get3A_323 : vector<16xf32>
        %add3A_325 = arith.addf %mul3A_315, %mul3A_324 : vector<16xf32>
        %get3A_326 = arith.index_cast %scan3A_306 : i32 to index
        %get3A_327 = arith.constant 32 : index
        %get3A_328 = tpu.vector_load %arg9[%get3A_326, %get3A_327] {strides = array<i32>} : memref<512x64xf32, #tpu.memory_space<vmem>>, vector<1x16xf32>,
        %get3A_329 = vector.shape_cast %get3A_328 : vector<1x16xf32> to vector<16xf32>
        %get3A_330 = arith.index_cast %scan3A_306 : i32 to index
        %get3A_331 = arith.constant 32 : index
        %get3A_332 = tpu.vector_load %arg10[%get3A_330, %get3A_331] {strides = array<i32>} : memref<512x64xf32, #tpu.memory_space<vmem>>, vector<1x16xf32>,
        %get3A_333 = vector.shape_cast %get3A_332 : vector<1x16xf32> to vector<16xf32>
        %mul3A_334 = arith.mulf %get3A_329, %get3A_333 : vector<16xf32>
        %add3A_335 = arith.addf %add3A_325, %mul3A_334 : vector<16xf32>
        %get3A_336 = arith.index_cast %scan3A_306 : i32 to index
        %get3A_337 = arith.constant 48 : index
        %get3A_338 = tpu.vector_load %arg9[%get3A_336, %get3A_337] {strides = array<i32>} : memref<512x64xf32, #tpu.memory_space<vmem>>, vector<1x16xf32>,
        %get3A_339 = vector.shape_cast %get3A_338 : vector<1x16xf32> to vector<16xf32>
        %get3A_340 = arith.index_cast %scan3A_306 : i32 to index
        %get3A_341 = arith.constant 48 : index
        %get3A_342 = tpu.vector_load %arg10[%get3A_340, %get3A_341] {strides = array<i32>} : memref<512x64xf32, #tpu.memory_space<vmem>>, vector<1x16xf32>,
        %get3A_343 = vector.shape_cast %get3A_342 : vector<1x16xf32> to vector<16xf32>
        %mul3A_344 = arith.mulf %get3A_339, %get3A_343 : vector<16xf32>
        %add3A_345 = arith.addf %add3A_335, %mul3A_344 : vector<16xf32>
        %swap3A_346 = arith.index_cast %scan3A_306 : i32 to index
        %swap3A_347 = arith.constant 0 : index
        %swap3A_348 = tpu.vector_load %arg11[%swap3A_346, %swap3A_347] {strides = array<i32>} : memref<512x16xf32, #tpu.memory_space<vmem>>, vector<1x16xf32>,
        %swap3A_349 = vector.shape_cast %swap3A_348 : vector<1x16xf32> to vector<16xf32>
        %swap3A_350 = vector.shape_cast %add3A_345 : vector<16xf32> to vector<1x16xf32>
        tpu.vector_store %arg11[%swap3A_346, %swap3A_347], %swap3A_350 {strides = array<i32>} : memref<512x16xf32, #tpu.memory_space<vmem>>, vector<1x16xf32>,
      }
      %scan3A_169 = arith.constant 512 : i32
      "tpu.region"() ({
        %run_scoped3A = tpu.sem_alloc : memref<!tpu.dma_semaphore, #tpu.memory_space<semaphore_mem>>
        %dma_start3A_170 = arith.constant 0 : i32
        %dma_start3A_171 = arith.constant 0 : i32
        %dma_start3A_172 = tpu.memref_slice %arg6[%add3A, %scan3A_84, %dma_start3A_170, %dma_start3A_171] : memref<32x21x512x16xf32, #tpu.memory_space<hbm>> -> memref<1x1x512x16xf32, #tpu.memory_space<hbm>>
        %dma_start3A_173 = tpu.memref_squeeze %dma_start3A_172 : memref<1x1x512x16xf32, #tpu.memory_space<hbm>> -> memref<512x16xf32, #tpu.memory_space<hbm>>
        %dma_start3A_174 = arith.constant 0 : i32
        %dma_start3A_175 = arith.constant 0 : i32
        %dma_start3A_176 = tpu.memref_slice %arg6[%add3A, %scan3A_84, %dma_start3A_174, %dma_start3A_175] : memref<32x21x512x16xf32, #tpu.memory_space<hbm>> -> memref<1x1x512x16xf32, #tpu.memory_space<hbm>>
        %dma_start3A_177 = tpu.memref_squeeze %dma_start3A_176 : memref<1x1x512x16xf32, #tpu.memory_space<hbm>> -> memref<512x16xf32, #tpu.memory_space<hbm>>
        tpu.enqueue_dma source(%arg11 : memref<512x16xf32, #tpu.memory_space<vmem>>) target(%dma_start3A_177 : memref<512x16xf32, #tpu.memory_space<hbm>>) target_semaphore(%run_scoped3A : memref<!tpu.dma_semaphore, #tpu.memory_space<semaphore_mem>>)
        %dma_wait3A_178 = arith.constant 0 : i32
        %dma_wait3A_179 = arith.constant 0 : i32
        %dma_wait3A_180 = tpu.memref_slice %arg6[%add3A, %scan3A_84, %dma_wait3A_178, %dma_wait3A_179] : memref<32x21x512x16xf32, #tpu.memory_space<hbm>> -> memref<1x1x512x16xf32, #tpu.memory_space<hbm>>
        %dma_wait3A_181 = tpu.memref_squeeze %dma_wait3A_180 : memref<1x1x512x16xf32, #tpu.memory_space<hbm>> -> memref<512x16xf32, #tpu.memory_space<hbm>>
        %dma_wait3A_182 = arith.constant 0 : i32
        %dma_wait3A_183 = arith.constant 0 : i32
        %dma_wait3A_184 = tpu.memref_slice %arg6[%add3A, %scan3A_84, %dma_wait3A_182, %dma_wait3A_183] : memref<32x21x512x16xf32, #tpu.memory_space<hbm>> -> memref<1x1x512x16xf32, #tpu.memory_space<hbm>>
        %dma_wait3A_185 = tpu.memref_squeeze %dma_wait3A_184 : memref<1x1x512x16xf32, #tpu.memory_space<hbm>> -> memref<512x16xf32, #tpu.memory_space<hbm>>
        tpu.wait_dma2 semaphore(%run_scoped3A : memref<!tpu.dma_semaphore, #tpu.memory_space<semaphore_mem>>) src(%arg11 : memref<512x16xf32, #tpu.memory_space<vmem>>) dst(%dma_wait3A_185 : memref<512x16xf32, #tpu.memory_space<hbm>>)
        tpu.yield
      }) : () -> ()
    }
    %scan3A_83 = arith.constant 21 : i32
    return
  }
}

module attributes {stable_mosaic.version = 14 : i64} {
  func.func @_tc_loss_body(%arg0: i32, %arg1: memref<4096x16xf32, #tpu.memory_space<vmem>>, %arg2: memref<1x1xf32, #tpu.memory_space<smem>>, %arg3: memref<1xf32, #tpu.memory_space<smem>>) attributes {dimension_semantics = [#tpu.dimension_semantics<arbitrary>], iteration_bounds = array<i64: 84>, scalar_prefetch = 0 : i64, scratch_operands = 1 : i64, tpu.core_type = #tpu.core_type<tc>, window_params = [{transform_indices = @transform_0, window_bounds = array<i64: 4096, 16>}, {transform_indices = @transform_1, window_bounds = array<i64: 1, 1>}]} {
    %eq3A = arith.constant 0 : i32
    %eq3A_0 = arith.cmpi eq, %arg0, %eq3A : i32
    %convert_element_type3A = arith.extui %eq3A_0 : i1 to i32
    %cond3A = arith.constant 0 : i32
    %cond3A_1 = arith.cmpi ne, %convert_element_type3A, %cond3A : i32
    scf.if %cond3A_1 {
      %swap3A_77 = arith.constant 0.000000e+00 : f32
      %swap3A_78 = arith.constant 0 : index
      %swap3A_79 = memref.load %arg3[%swap3A_78] : memref<1xf32, #tpu.memory_space<smem>>
      memref.store %swap3A_77, %arg3[%swap3A_78] : memref<1xf32, #tpu.memory_space<smem>>
    } else {
    }
    %get3A = arith.constant 0 : index
    %get3A_2 = arith.constant 0 : index
    %get3A_3 = vector.load %arg1[%get3A, %get3A_2] : memref<4096x16xf32, #tpu.memory_space<vmem>>, vector<4096x16xf32>
    %reduce_sum3A = arith.constant dense<0.000000e+00> : vector<4096xf32>
    %reduce_sum3A_4 = vector.multi_reduction <add>, %get3A_3, %reduce_sum3A [1] : vector<4096x16xf32> to vector<4096xf32>
    %broadcast_in_dim3A = vector.shape_cast %reduce_sum3A_4 : vector<4096xf32> to vector<4096x1xf32>
    %mul3A = arith.constant 4096 : i32
    %mul3A_5 = arith.muli %arg0, %mul3A : i32
    %iota3A = tpu.iota {dimensions = array<i32: 0>} : vector<4096x1xi32>
    %add3A = vector.broadcast %mul3A_5 : i32 to vector<4096x1xi32>
    %add3A_6 = arith.addi %add3A, %iota3A : vector<4096x1xi32>
    %jit3A = arith.constant 512 : i32
    %div3A = vector.broadcast %jit3A : i32 to vector<4096x1xi32>
    %div3A_7 = arith.divsi %add3A_6, %div3A : vector<4096x1xi32>
    %sign3A = arith.constant 0 : i32
    %sign3A_8 = vector.broadcast %sign3A : i32 to vector<4096x1xi32>
    %sign3A_9 = arith.cmpi sgt, %add3A_6, %sign3A_8 : vector<4096x1xi32>
    %sign3A_10 = arith.extui %sign3A_9 : vector<4096x1xi1> to vector<4096x1xi32>
    %sign3A_11 = arith.constant 0 : i32
    %sign3A_12 = vector.broadcast %sign3A_11 : i32 to vector<4096x1xi32>
    %sign3A_13 = arith.cmpi slt, %add3A_6, %sign3A_12 : vector<4096x1xi32>
    %sign3A_14 = arith.extui %sign3A_13 : vector<4096x1xi1> to vector<4096x1xi32>
    %sign3A_15 = arith.subi %sign3A_10, %sign3A_14 : vector<4096x1xi32>
    %sign3A_16 = arith.constant 0 : i32
    %sign3A_17 = arith.cmpi sgt, %jit3A, %sign3A_16 : i32
    %sign3A_18 = arith.extui %sign3A_17 : i1 to i32
    %sign3A_19 = arith.constant 0 : i32
    %sign3A_20 = arith.cmpi slt, %jit3A, %sign3A_19 : i32
    %sign3A_21 = arith.extui %sign3A_20 : i1 to i32
    %sign3A_22 = arith.subi %sign3A_18, %sign3A_21 : i32
    %ne3A = vector.broadcast %sign3A_22 : i32 to vector<4096x1xi32>
    %ne3A_23 = arith.cmpi ne, %sign3A_15, %ne3A : vector<4096x1xi32>
    %rem3A = vector.broadcast %jit3A : i32 to vector<4096x1xi32>
    %rem3A_24 = arith.remsi %add3A_6, %rem3A : vector<4096x1xi32>
    %ne3A_25 = arith.constant 0 : i32
    %ne3A_26 = vector.broadcast %ne3A_25 : i32 to vector<4096x1xi32>
    %ne3A_27 = arith.cmpi ne, %rem3A_24, %ne3A_26 : vector<4096x1xi32>
    %and3A = arith.andi %ne3A_23, %ne3A_27 : vector<4096x1xi1>
    %sub3A = arith.constant 1 : i32
    %sub3A_28 = vector.broadcast %sub3A : i32 to vector<4096x1xi32>
    %sub3A_29 = arith.subi %div3A_7, %sub3A_28 : vector<4096x1xi32>
    %select_n3A = arith.select %and3A, %sub3A_29, %div3A_7 : vector<4096x1xi1>, vector<4096x1xi32>
    %jit3A_30 = arith.constant 21 : i32
    %eq3A_31 = arith.constant 0 : i32
    %eq3A_32 = arith.cmpi eq, %jit3A_30, %eq3A_31 : i32
    %jit3A_33 = arith.constant 1 : i32
    %select_n3A_34 = arith.select %eq3A_32, %jit3A_33, %jit3A_30 : i32
    %rem3A_35 = vector.broadcast %select_n3A_34 : i32 to vector<4096x1xi32>
    %rem3A_36 = arith.remsi %select_n3A, %rem3A_35 : vector<4096x1xi32>
    %ne3A_37 = arith.constant 0 : i32
    %ne3A_38 = vector.broadcast %ne3A_37 : i32 to vector<4096x1xi32>
    %ne3A_39 = arith.cmpi ne, %rem3A_36, %ne3A_38 : vector<4096x1xi32>
    %lt3A = arith.constant 0 : i32
    %lt3A_40 = vector.broadcast %lt3A : i32 to vector<4096x1xi32>
    %lt3A_41 = arith.cmpi slt, %rem3A_36, %lt3A_40 : vector<4096x1xi32>
    %lt3A_42 = arith.constant 0 : i32
    %lt3A_43 = arith.cmpi slt, %select_n3A_34, %lt3A_42 : i32
    %ne3A_44 = vector.broadcast %lt3A_43 : i1 to vector<4096x1xi1>
    %ne3A_45 = vector.broadcast %ne3A_44 : vector<4096x1xi1> to vector<4096x1xi1>
    %ne3A_46 = arith.xori %lt3A_41, %ne3A_45 : vector<4096x1xi1>
    %and3A_47 = arith.andi %ne3A_46, %ne3A_39 : vector<4096x1xi1>
    %add3A_48 = vector.broadcast %select_n3A_34 : i32 to vector<4096x1xi32>
    %add3A_49 = arith.addi %rem3A_36, %add3A_48 : vector<4096x1xi32>
    %select_n3A_50 = arith.select %and3A_47, %add3A_49, %rem3A_36 : vector<4096x1xi1>, vector<4096x1xi32>
    %eq3A_51 = arith.constant 0 : i32
    %eq3A_52 = vector.broadcast %eq3A_51 : i32 to vector<4096x1xi32>
    %eq3A_53 = arith.cmpi eq, %select_n3A_50, %eq3A_52 : vector<4096x1xi32>
    %neg3A = arith.constant 0.000000e+00 : f32
    %neg3A_54 = vector.broadcast %neg3A : f32 to vector<4096x1xf32>
    %neg3A_55 = arith.subf %neg3A_54, %broadcast_in_dim3A : vector<4096x1xf32>
    %select_n3A_56 = arith.select %eq3A_53, %neg3A_55, %broadcast_in_dim3A : vector<4096x1xi1>, vector<4096x1xf32>
    %max3A = arith.constant 0.000000e+00 : f32
    %max3A_57 = vector.broadcast %max3A : f32 to vector<4096x1xf32>
    %max3A_58 = arith.maximumf %select_n3A_56, %max3A_57 : vector<4096x1xf32>
    %abs3A = math.absf %select_n3A_56 : vector<4096x1xf32>
    %neg3A_59 = arith.constant 0.000000e+00 : f32
    %neg3A_60 = vector.broadcast %neg3A_59 : f32 to vector<4096x1xf32>
    %neg3A_61 = arith.subf %neg3A_60, %abs3A : vector<4096x1xf32>
    %exp3A = math.exp %neg3A_61 : vector<4096x1xf32>
    %log1p3A = math.log1p %exp3A : vector<4096x1xf32>
    %add3A_62 = arith.addf %max3A_58, %log1p3A : vector<4096x1xf32>
    %get3A_63 = arith.constant 0 : index
    %get3A_64 = memref.load %arg3[%get3A_63] : memref<1xf32, #tpu.memory_space<smem>>
    %reduce_sum3A_65 = vector.shape_cast %add3A_62 : vector<4096x1xf32> to vector<1x4096x1xf32>
    %reduce_sum3A_66 = arith.constant dense<0.000000e+00> : vector<1xf32>
    %reduce_sum3A_67 = vector.multi_reduction <add>, %reduce_sum3A_65, %reduce_sum3A_66 [1, 2] : vector<1x4096x1xf32> to vector<1xf32>
    %reduce_sum3A_68 = vector.shape_cast %reduce_sum3A_67 : vector<1xf32> to vector<1x1x1xf32>
    %reduce_sum3A_69 = vector.extract %reduce_sum3A_68[0, 0, 0] : f32 from vector<1x1x1xf32>
    %add3A_70 = arith.addf %get3A_64, %reduce_sum3A_69 : f32
    %swap3A = arith.constant 0 : index
    %swap3A_71 = memref.load %arg3[%swap3A] : memref<1xf32, #tpu.memory_space<smem>>
    memref.store %add3A_70, %arg3[%swap3A] : memref<1xf32, #tpu.memory_space<smem>>
    %eq3A_72 = arith.constant 83 : i32
    %eq3A_73 = arith.cmpi eq, %arg0, %eq3A_72 : i32
    %convert_element_type3A_74 = arith.extui %eq3A_73 : i1 to i32
    %cond3A_75 = arith.constant 0 : i32
    %cond3A_76 = arith.cmpi ne, %convert_element_type3A_74, %cond3A_75 : i32
    scf.if %cond3A_76 {
      %get3A_77 = arith.constant 0 : index
      %get3A_78 = memref.load %arg3[%get3A_77] : memref<1xf32, #tpu.memory_space<smem>>
      %mul3A_79 = arith.constant 6.10351563E-5 : f32
      %mul3A_80 = arith.mulf %get3A_78, %mul3A_79 : f32
      %swap3A_81 = arith.constant 0 : index
      %swap3A_82 = arith.constant 0 : index
      %swap3A_83 = memref.load %arg2[%swap3A_81, %swap3A_82] : memref<1x1xf32, #tpu.memory_space<smem>>
      memref.store %mul3A_80, %arg2[%swap3A_81, %swap3A_82] : memref<1x1xf32, #tpu.memory_space<smem>>
    } else {
    }
    return
  }
  func.func @transform_0(%arg0: i32) -> (i32, i32) {
    %c0_i32 = arith.constant 0 : i32
    %c0_i32_0 = arith.constant 0 : i32
    return %arg0, %c0_i32 : i32, i32
  }
  func.func @transform_1(%arg0: i32) -> (i32, i32) {
    %c0_i32 = arith.constant 0 : i32
    %c0_i32_0 = arith.constant 0 : i32
    %c0_i32_1 = arith.constant 0 : i32
    return %c0_i32, %c0_i32_0 : i32, i32
  }
}

</mosaic_0001>

<sc_bundles>
// kernel: kernel.4.cloned.1.call-start
scs
__scs_entry_jumppad:
0x0: {  	(pc) =	sbr.rel $0x88, $3  }
0x1: {  	(tag) =	ssettag $0x0;
	lr =	simm.s32 $0x1  }
0x2: {  	[smem:$0x3F9C] =	sst lr;
	_ =	strace $0xD0000000  }
0x3: {  	_ = 	snop  }
0x4: {  	_ = 	snop  }
0x5: {  	_ = 	snop  }
0x6: {  	_ = 	snop  }
0x7: {  	_ = 	snop  }
__scs_overlays_trampoline_lowered:
0x8: {  	[smem:$0x3FAB] =	sst s0  }
0x9: {  	[smem:$0x3FAC] =	sst s1  }
0xa: {  	[smem:$0x3FAD] =	sst s2  }
0xb: {  	[smem:$0x3FAE] =	sst s3  }
0xc: {  	[smem:$0x3FAF] =	sst s4  }
0xd: {  	[smem:$0x3FB0] =	sst s5  }
0xe: {  	[smem:$0x3FB1] =	sst s6  }
0xf: {  	[smem:$0x3FB2] =	sst s7  }
0x10: {  	[smem:$0x3FB3] =	sst s8  }
0x11: {  	[smem:$0x3FB4] =	sst s9;
	s0 =	simm.s32 @!p0 $0x0  }
0x12: {  	s1 =	sld [smem:$0x3F9A];
	s0 =	simm.s32 @p0 $0x1  }
0x13: {  	[smem:$0x3FB5] =	sst s0;
	s0 =	simm.s32 @!p1 $0x0  }
0x14: {  	s2 =	sld [smem:$0x3F99];
	s0 =	simm.s32 @p1 $0x1  }
0x15: {  	[smem:$0x3FB6] =	sst s0;
	s0 =	simm.s32 @!p2 $0x0  }
0x16: {  	s3 =	sld [smem:$0x3FDB];
	s0 =	simm.s32 @p2 $0x1  }
0x17: {  	s4 =	simm.s32 $0x1BF5;
	[smem:$0x3FB8] =	sst s0  }
0x18: {  	s0 =	sld [smem:$0x3F9B];
	_ =	swait.ge [sflag:s4], $0x0  }
0x19: {  	s7 =	sld [smem:$0x3F9C]  }
0x1a: {  	s8 =	sadd.s32 $0xFFFFE003, lr  }
0x1b: {  	s9 =	sadd.s32 $0xFFFFFEF7, lr;
	s5 =	simm.s32 $0xFFFFFFFF;
	p2 =	slt.u32 s8, $0xFFFFF086  }
0x1c: {  	p1 =	slt.u32 s9, $0xF7A;
	s5 =	simm.s32 @!p2 $0x0  }
0x1d: {  	s5 =	simm.s32 @p1 $0x1;
	p0 =	seq.s32 s7, s2  }
0x1e: {  	s7 =	smul.u32 @!p0 $0xF7A, s2;
	p2 =	seq.s32 @!p0 s5, $0x0  }
0x1f: {  	s9 =	smul.u32 $0xF7A, s1;
	s8 =	simm.s32 @!p0 $0x1BF5;
	p2 =	por !p2, p0  }
0x20: {  	[sflag:s8] =	ssyncset.s32 @!p0 $0xFFFFF086;
	s6 =	sadd.s32 @!p0 s3, s7;
	s7 =	simm.s32 @!p0 $0x108  }
0x21: {  	s3 =	sadd.s32 s3, s9;
	s6 =	sadd.s32 @!p0 $0x88, s6;
	s7 =	simm.s32 @p2 $0x1082  }
0x22: {  	[simem:s7], [sflag:s8] =	dma.local @!p0 [hbm:s6], $0xF7A  }
0x23: {  	s9 =	sor.u32 $0xD0000000, s2;
	s6 =	simm.s32 $0x108;
	_ =	swait.ge @!p0 [sflag:s8], $0x0  }
0x24: {  	s3 =	sadd.s32 $0x88, s3;
	s6 =	simm.s32 @!p1 $0x1082;
	[sflag:s4] =	ssyncset.s32 $0xFFFFF086  }
0x25: {  	[simem:s6], [sflag:s4] =	dma.local [hbm:s3], $0xF7A  }
0x26: {  	[smem:$0x3F9C] =	sst s1;
	(tag) =	ssettag s2;
	_ =	strace s9  }
0x27: {  	s1 =	sld [smem:$0x3FAC]  }
0x28: {  	s2 =	sld [smem:$0x3FAD]  }
0x29: {  	s4 =	sld [smem:$0x3FAF]  }
0x2a: {  	p0 =	seq.s32 s5, $0x0;
	s5 =	sld [smem:$0x3FB0]  }
0x2b: {  	s6 =	sld [smem:$0x3FB1]  }
0x2c: {  	s7 =	sld [smem:$0x3FB2]  }
0x2d: {  	s3 =	simm.s32 $0x108;
	s8 =	sld [smem:$0x3FB3]  }
0x2e: {  	s3 =	simm.s32 @!p0 $0x1082;
	s9 =	sld [smem:$0x3FB4]  }
0x2f: {  	lr =	sadd.s32 s0, s3;
	s0 =	sld [smem:$0x3FAB]  }
0x30: {  	s3 =	sld [smem:$0x3FAE]  }
0x31: {  	[smem:$0x3FB7] =	sst s10  }
0x32: {  	s10 =	sld [smem:$0x3FB5];
	_ =	sdelay $0x3  }
0x33: {  	p0 =	seq.s32 s10, $0x1;
	s10 =	sld [smem:$0x3FB7];
	_ =	sdelay $0x3  }
0x34: {  	[smem:$0x3FB7] =	sst s10  }
0x35: {  	s10 =	sld [smem:$0x3FB6];
	_ =	sdelay $0x3  }
0x36: {  	p1 =	seq.s32 s10, $0x1;
	s10 =	sld [smem:$0x3FB7];
	_ =	sdelay $0x3  }
0x37: {  	[smem:$0x3FB7] =	sst s10  }
0x38: {  	s10 =	sld [smem:$0x3FB8]  }
0x39: {  	_ = 	snop;
	(pc) =	sbr.ind lr, $3  }
0x3a: {  	_ = 	snop  }
0x3b: {  	_ = 	snop  }
0x3c: {  	p2 =	seq.s32 s10, $0x1;
	s10 =	sld [smem:$0x3FB7]  }
0x3d: {  	_ =	shalt  }
0x3e: {  	_ =	shalt  }
0x3f: {  	_ =	shalt  }
0x40: {  	_ =	shalt  }
0x41: {  	_ =	shalt  }
0x42: {  	_ =	shalt  }
0x43: {  	_ =	shalt  }
0x44: {  	_ =	shalt  }
0x45: {  	_ =	shalt  }
0x46: {  	_ =	shalt  }
0x47: {  	_ =	shalt  }
0x48: {  	_ =	shalt  }
0x49: {  	_ =	shalt  }
0x4a: {  	_ =	shalt  }
0x4b: {  	_ =	shalt  }
0x4c: {  	_ =	shalt  }
0x4d: {  	_ =	shalt  }
0x4e: {  	_ =	shalt  }
0x4f: {  	_ =	shalt  }
0x50: {  	_ =	shalt  }
0x51: {  	_ =	shalt  }
0x52: {  	_ =	shalt  }
0x53: {  	_ =	shalt  }
0x54: {  	_ =	shalt  }
0x55: {  	_ =	shalt  }
0x56: {  	_ =	shalt  }
0x57: {  	_ =	shalt  }
0x58: {  	_ =	shalt  }
0x59: {  	_ =	shalt  }
0x5a: {  	_ =	shalt  }
0x5b: {  	_ =	shalt  }
0x5c: {  	_ =	shalt  }
0x5d: {  	_ =	shalt  }
0x5e: {  	_ =	shalt  }
0x5f: {  	_ =	shalt  }
0x60: {  	_ =	shalt  }
0x61: {  	_ =	shalt  }
0x62: {  	_ =	shalt  }
0x63: {  	_ =	shalt  }
0x64: {  	_ =	shalt  }
0x65: {  	_ =	shalt  }
0x66: {  	_ =	shalt  }
0x67: {  	_ =	shalt  }
0x68: {  	_ =	shalt  }
0x69: {  	_ =	shalt  }
0x6a: {  	_ =	shalt  }
0x6b: {  	_ =	shalt  }
0x6c: {  	_ =	shalt  }
0x6d: {  	_ =	shalt  }
0x6e: {  	_ =	shalt  }
0x6f: {  	_ =	shalt  }
0x70: {  	_ =	shalt  }
0x71: {  	_ =	shalt  }
0x72: {  	_ =	shalt  }
0x73: {  	_ =	shalt  }
0x74: {  	_ =	shalt  }
0x75: {  	_ =	shalt  }
0x76: {  	_ =	shalt  }
0x77: {  	_ =	shalt  }
0x78: {  	_ =	shalt  }
0x79: {  	_ =	shalt  }
0x7a: {  	_ =	shalt  }
0x7b: {  	_ =	shalt  }
0x7c: {  	_ =	shalt  }
0x7d: {  	_ =	shalt  }
0x7e: {  	_ =	shalt  }
0x7f: {  	_ =	shalt  }
0x80: {  	_ =	shalt  }
0x81: {  	_ =	shalt  }
0x82: {  	_ =	shalt  }
0x83: {  	_ =	shalt  }
0x84: {  	_ =	shalt  }
0x85: {  	_ =	shalt  }
0x86: {  	_ =	shalt  }
0x87: {  	_ =	shalt  }
.Lfunc_end0:
.L_simem_size_0:
called_computation_lowered:
.L_overlay_start_0:
0x88: {  	s2 =	sld [smem:$0x3FD9]  }
0x89: {  	s3 =	sld [smem:$0x3FFE];
	_ =	sdelay $0x1  }
0x8a: {  	s1 =	srdreg.scid  }
0x8b: {  	s0 =	sand.u32 $0x1, s1  }
0x8c: {  	s17 =	sshll.u32 s0, $0xA;
	s2 =	sadd.s32 s3, s2  }
0x8d: {  	s2 =	sadd.s32 s2, s17  }
0x8e: {  	[smem:$0x3FC3] =	sst s2  }
0x8f: {  	_ = 	snop  }
0x90: {  	s2 =	sld [smem:$0x3FC9];
	(tm) =	ssettm $0x1  }
0x91: {  	s18 =	sld [smem:$0x3FFB];
	_ =	sdelay $0x3  }
0x92: {  	_ =	strace s18  }
0x93: {  	s3 =	sld [smem:$0x3FFC];
	_ =	sdelay $0x3  }
0x94: {  	_ =	strace s3  }
0x95: {  	s3 =	sld [smem:$0x3FFD];
	_ =	sdelay $0x3  }
0x96: {  	_ =	strace s3  }
0x97: {  	_ =	strace $0x8FFFFFFF  }
0x98: {  	s19 =	sld [smem:$0x3FDB];
	_ =	sdelay $0x1  }
0x99: {  	s4 =	simm.s32 $_scs_section_size  }
0x9a: {  	s5 =	simm.s32 $_size__tile_overlayer_lowered;
	s6 =	simm.s32 $_tile_overlayer_lowered  }
0x9b: {  	s22 =	simm.s32 $0x1BFF;
	s21 =	sshll.u32 s6, $0x1;
	s3 =	sadd.s32 s4, s19  }
0x9c: {  	s7 =	simm.s32 $0x0;
	s20 =	sshll.u32 s5, $0x1;
	s5 =	sadd.s32 s21, s3  }
0x9d: {  	[timem:s7], [sflag:s22] =	dma.local [hbm:s5], s20  }
0x9e: {  	_ =	swait.ge [sflag:s22], s20  }
0x9f: {  	s4 =	ssub.s32 $0x0, s20;
	[sflag:s22] =	ssyncset.done $0x0  }
0xa0: {  	[sflag:s22] =	ssyncadd.s32 s4;
	_ =	sdelay $0x1  }
0xa1: {  	s23 =	simm.s32 $0x1B8B  }
0xa2: {  	_ =	swait.ge [sflag:s23], $0x1  }
0xa3: {  	[sflag:s23] =	ssyncset.done $0x0  }
0xa4: {  	s25 =	simm.s32 $0x1B8E;
	s24 =	sld [smem:$0x3FFE];
	[sflag:s23] =	ssyncadd.s32 $0xFFFFFFFF  }
0xa5: {  	s26 =	simm.s32 $execute0_lowered;
	[smem:$0x3FD2] =	sst s25  }
0xa6: {  	s5 =	sshll.u32 s26, $0x1;
	_ =	strace $0x80000046;
	[dreg:$0x1] =	wrdreg $0xFFFFFFFF  }
0xa7: {  	s28 =	simm.s32 $_size_execute0_lowered;
	s3 =	sadd.s32 s3, s5;
	[dreg:$0x0] =	wrdreg $0x0  }
0xa8: {  	s5 =	sshll.u32 s28, $0x1;
	[dreg:$0x2] =	wrdreg s3  }
0xa9: {  	[dreg:$0x3] =	wrdreg s5  }
0xaa: {  	[dreg:$0x4] =	wrdreg $0xC0  }
0xab: {  	_ =	task [dreg:s7], $0x5FFFF  }
0xac: {  	[dreg:$0x1] =	wrdreg $0xFFFFFFFF  }
0xad: {  	[dreg:$0x0] =	wrdreg $0x60  }
0xae: {  	[dreg:$0x2] =	wrdreg s2  }
0xaf: {  	[dreg:$0x3] =	wrdreg s24  }
0xb0: {  	[dreg:$0x4] =	wrdreg $0x9  }
0xb1: {  	_ =	task.clear_ibuf [dreg:s7], $0x5FFFF;
	_ =	strace $0x90000046  }
0xb2: {  	s29 =	simm.s32 $0x9;
	_ =	strace $0x80000048  }
0xb3: {  	_ =	swait.ge [sflag:s29], $0x1  }
0xb4: {  	[sflag:s29] =	ssyncadd.s32 $0xFFFFFFFF  }
0xb5: {  	_ =	strace $0x90000048  }
0xb6: {  	_ =	sfence  }
0xb7: {  	s30 =	sld [smem:$0x0];
	_ =	sdelay $0x2  }
0xb8: {  	s31 =	sshll.u32 s1, $0xD;
	s1 =	sshrl.u32 s1, $0x2  }
0xb9: {  	s3 =	sand.u32 $0x4000, s31;
	s1 =	sadd.s32 s1, s30  }
0xba: {  	s0 =	sor.u32 s3, s0;
	s1 =	sshll.u32 s1, $0x11  }
0xbb: {  	s0 =	sor.u32 s1, s0  }
0xbc: {  	s0 =	sadd.s32 $0x8F2B, s0  }
0xbd: {  	[sflag:s0] =	ssyncadd.remote.s32 $0x1  }
0xbe: {  	_ =	sfence.sel $0xFFFF  }
0xbf: {  	[dreg:$0x0] =	wrdreg $0xFFFFFFFF;
	(pc) =	sbr.abs _section_cstart, $3  }
0xc0: {  	[dreg:$0x1] =	wrdreg $0xFFFFFFFF  }
0xc1: {  	_ =	task.clear_ibuf [dreg:s7], $0x2FFFF;
	_ =	strace $0x9FFFFFFF  }
0xc2: {  	(tm) =	ssettm $0x7FFFFFFF  }
0xc3: {  	_ =	shalt  }
tec
execute0_lowered:
.L_overlay_start_1:
0x0: {  	(tag) =	ssettag $0x1  }
0x1: {  	s0 =	rddreg [dreg:$0x0]  }
0x2: {  	s1 =	rddreg [dreg:$0x1]  }
0x3: {  	s3 =	srdreg.scid;
	s4 =	stileid.u32  }
0x4: {  	s2 =	simm.s32 $0x0;
	s13 =	simm.s32 $0x80;
	s14 =	simm.s32 $0x2C00  }
0x5: {  	s15 =	simm.s32 $0x1;
	s16 =	simm.s32 $0x4C00;
	s17 =	simm.s32 $0x100  }
0x6: {  	s18 =	simm.s32 $0x6C00;
	s19 =	simm.s32 $0x180;
	s20 =	simm.s32 $0x8C00  }
0x7: {  	s21 =	simm.s32 $0xAC00;
	s22 =	simm.s32 $0xCC00;
	s23 =	simm.s32 $0xEC00  }
0x8: {  	s24 =	simm.s32 $0x10C00;
	s25 =	simm.s32 $0x12C00;
	s26 =	simm.s32 $0x0  }
0x9: {  	s3 =	sand.u32 $0x1, s3;
	s4 =	sshll.u32 s4, $0x1;
	[smem:$0x7FF] =	sst s2  }
0xa: {  	s5 =	sadd.s32 $0xB000, s1;
	s8 =	sor.u32 s3, s4;
	_ =	strace $0x80000047  }
0xb: {  	s7 =	ssub.s32 $0x2, s3;
	s3 =	sadd.s32 $0x16E3E00, s1;
	s4 =	sadd.s32 $0xF42C00, s1  }
0xc: {  	s6 =	sshll.u32 s8, $0x6;
	s10 =	sshrl.u32 s7, $0x1;
	s8 =	smul.u32 $0x2A000, s8  }
0xd: {  	s9 =	sadd.s32 s6, s1;
	s31 =	ssub.s32 s7, s10;
	s6 =	sadd.s32 s0, s6  }
0xe: {  	s10 =	simm.s32 $0x2;
	s7 =	sadd.s32 $0x800, s9;
	s9 =	smax.u32 s31, $0x1  }
.LBB2_1:
0xf: {  	[tilespmem:s2], [sflag:$0x2] =	stream.linear.gather [hbm4b:s6+s2], $0x200, $0x38;
	[tilespmem:$0x14C00] =	vst v63  }
0x10: {  	_ =	swait.ge [sflag:s10], $0x200  }
0x11: {  	[sflag:s10] =	ssyncset.done $0x0  }
0x12: {  	s0 =	simm.s32 $0x4000;
	s1 =	simm.s32 $0x200;
	[sflag:s10] =	ssyncadd.s32 $0xFFFFFE00  }
0x13: {  	[tilespmem:s1], [sflag:$0x2] =	stream.strided.gather [hbm4b:s7+s1], $0x2A00, s0, s1, $0x38;
	[tilespmem:$0x14C00] =	vst v63  }
0x14: {  	_ =	swait.ge [sflag:s10], $0x2A00  }
0x15: {  	[sflag:s10] =	ssyncset.done $0x0  }
0x16: {  	[sflag:s10] =	ssyncadd.s32 $0xFFFFD600  }
0x17: {  	[tilespmem:s14], [sflag:$0x1] =	stream.indirect.gather [hbm4b:s3+s13], $0x40, s2, s13, $0xb8;
	[tilespmem:$0x14C00] =	vst v63  }
0x18: {  	_ =	swait.ge [sflag:s15], $0x2000  }
0x19: {  	[sflag:s15] =	ssyncset.done $0x0  }
0x1a: {  	[sflag:s15] =	ssyncadd.s32 $0xFFFFE000  }
0x1b: {  	[tilespmem:s16], [sflag:$0x1] =	stream.indirect.gather [hbm4b:s3+s13], $0x40, s13, s13, $0xb8;
	[tilespmem:$0x14C00] =	vst v63  }
0x1c: {  	_ =	swait.ge [sflag:s15], $0x2000  }
0x1d: {  	[sflag:s15] =	ssyncset.done $0x0  }
0x1e: {  	[sflag:s15] =	ssyncadd.s32 $0xFFFFE000  }
0x1f: {  	[tilespmem:s18], [sflag:$0x1] =	stream.indirect.gather [hbm4b:s3+s13], $0x40, s17, s13, $0xb8;
	[tilespmem:$0x14C00] =	vst v63  }
0x20: {  	_ =	swait.ge [sflag:s15], $0x2000  }
0x21: {  	[sflag:s15] =	ssyncset.done $0x0  }
0x22: {  	[sflag:s15] =	ssyncadd.s32 $0xFFFFE000  }
0x23: {  	[tilespmem:s20], [sflag:$0x1] =	stream.indirect.gather [hbm4b:s3+s13], $0x40, s19, s13, $0xb8;
	[tilespmem:$0x14C00] =	vst v63  }
0x24: {  	_ =	swait.ge [sflag:s15], $0x2000  }
0x25: {  	[sflag:s15] =	ssyncset.done $0x0  }
0x26: {  	s28 =	simm.s32 $0x0;
	[sflag:s15] =	ssyncadd.s32 $0xFFFFE000  }
.LBB2_2:
0x27: {  	s0 =	sshll.u32 s28, $0x9  }
0x28: {  	s0 =	sand.u32 $0x3FFFFE00, s0  }
0x29: {  	s1 =	sadd.s32 $0x200, s0  }
0x2a: {  	[tilespmem:s21], [sflag:$0x1] =	stream.indirect.gather [hbm4b:s4+s13], $0x40, s1, s13, $0xb8;
	[tilespmem:$0x14C00] =	vst v63  }
0x2b: {  	_ =	swait.ge [sflag:s15], $0x2000  }
0x2c: {  	[sflag:s15] =	ssyncset.done $0x0  }
0x2d: {  	s11 =	sadd.s32 $0x280, s0;
	[sflag:s15] =	ssyncadd.s32 $0xFFFFE000  }
0x2e: {  	[tilespmem:s22], [sflag:$0x1] =	stream.indirect.gather [hbm4b:s4+s13], $0x40, s11, s13, $0xb8;
	[tilespmem:$0x14C00] =	vst v63  }
0x2f: {  	_ =	swait.ge [sflag:s15], $0x2000  }
0x30: {  	[sflag:s15] =	ssyncset.done $0x0  }
0x31: {  	s12 =	sadd.s32 $0x300, s0;
	[sflag:s15] =	ssyncadd.s32 $0xFFFFE000  }
0x32: {  	[tilespmem:s23], [sflag:$0x1] =	stream.indirect.gather [hbm4b:s4+s13], $0x40, s12, s13, $0xb8;
	[tilespmem:$0x14C00] =	vst v63  }
0x33: {  	_ =	swait.ge [sflag:s15], $0x2000  }
0x34: {  	[sflag:s15] =	ssyncset.done $0x0  }
0x35: {  	s0 =	sadd.s32 $0x380, s0;
	[sflag:s15] =	ssyncadd.s32 $0xFFFFE000  }
0x36: {  	[tilespmem:s24], [sflag:$0x1] =	stream.indirect.gather [hbm4b:s4+s13], $0x40, s0, s13, $0xb8;
	[tilespmem:$0x14C00] =	vst v63  }
0x37: {  	_ =	swait.ge [sflag:s15], $0x2000  }
0x38: {  	[sflag:s15] =	ssyncset.done $0x0  }
0x39: {  	s29 =	simm.s32 $0x2C80;
	[sflag:s15] =	ssyncadd.s32 $0xFFFFE000  }
0x3a: {  	s30 =	simm.s32 $0xAC80;
	v0 =	vld [tilespmem:s29+$0xFFFFFF80]  }
0x3b: {  	v1 =	vld [tilespmem:s30+$0xFFFFFF80]  }
0x3c: {  	v2 =	vld [tilespmem:s29+$0xFFFFFF90]  }
0x3d: {  	v3 =	vld [tilespmem:s30+$0xFFFFFF90]  }
0x3e: {  	v4 =	vld [tilespmem:s30+$0xFFFFFFA0]  }
0x3f: {  	v5 =	vld [tilespmem:s29+$0xFFFFFFA0]  }
0x40: {  	v6 =	vld [tilespmem:s30+$0xFFFFFFB0]  }
0x41: {  	v7 =	vld [tilespmem:s29+$0xFFFFFFB0]  }
0x42: {  	v0 =	vmul.f32 v1, v0;
	v1 =	vmul.f32 v3, v2;
	_ =	sdelay $0x1  }
0x43: {  	v0 =	vadd.f32 v1, v0;
	v1 =	vmul.f32 v4, v5;
	_ =	sdelay $0x1  }
0x44: {  	v0 =	vadd.f32 v1, v0;
	v1 =	vmul.f32 v6, v7;
	_ =	sdelay $0x1  }
0x45: {  	v0 =	vadd.f32 v1, v0  }
0x46: {  	s31 =	simm.s32 $0x12C20  }
0x47: {  	[tilespmem:s31+$0xFFFFFFE0] =	vst v0  }
0x48: {  	v0 =	vld [tilespmem:s29+$0xFFFFFFC0]  }
0x49: {  	v1 =	vld [tilespmem:s30+$0xFFFFFFC0]  }
0x4a: {  	v2 =	vld [tilespmem:s30+$0xFFFFFFD0]  }
0x4b: {  	v3 =	vld [tilespmem:s29+$0xFFFFFFD0]  }
0x4c: {  	v4 =	vld [tilespmem:s30+$0xFFFFFFE0]  }
0x4d: {  	v5 =	vld [tilespmem:s29+$0xFFFFFFE0]  }
0x4e: {  	v60 =	vld [tilespmem:s30+$0xFFFFFFF0]  }
0x4f: {  	v61 =	vld [tilespmem:s29+$0xFFFFFFF0]  }
0x50: {  	v0 =	vmul.f32 v1, v0;
	v1 =	vmul.f32 v2, v3;
	_ =	sdelay $0x1  }
0x51: {  	v0 =	vadd.f32 v1, v0;
	v1 =	vmul.f32 v4, v5;
	_ =	sdelay $0x1  }
0x52: {  	v0 =	vadd.f32 v1, v0;
	v1 =	vmul.f32 v60, v61;
	_ =	sdelay $0x1  }
0x53: {  	v0 =	vadd.f32 v1, v0;
	_ =	sdelay $0x1  }
0x54: {  	[tilespmem:s31+$0xFFFFFFF0] =	vst v0  }
0x55: {  	v0 =	vld [tilespmem:s29+$0x0]  }
0x56: {  	v1 =	vld [tilespmem:s30+$0x0]  }
0x57: {  	v2 =	vld [tilespmem:s30+$0x10]  }
0x58: {  	v3 =	vld [tilespmem:s29+$0x10]  }
0x59: {  	v4 =	vld [tilespmem:s30+$0x20]  }
0x5a: {  	v5 =	vld [tilespmem:s29+$0x20]  }
0x5b: {  	v62 =	vld [tilespmem:s30+$0x30]  }
0x5c: {  	v63 =	vld [tilespmem:s29+$0x30]  }
0x5d: {  	v0 =	vmul.f32 v1, v0;
	v1 =	vmul.f32 v2, v3;
	_ =	sdelay $0x1  }
0x5e: {  	v0 =	vadd.f32 v1, v0;
	v1 =	vmul.f32 v4, v5;
	_ =	sdelay $0x1  }
0x5f: {  	v0 =	vadd.f32 v1, v0;
	v1 =	vmul.f32 v62, v63;
	_ =	sdelay $0x1  }
0x60: {  	v0 =	vadd.f32 v1, v0;
	_ =	sdelay $0x1  }
0x61: {  	[tilespmem:s31+$0x0] =	vst v0  }
0x62: {  	v0 =	vld [tilespmem:s29+$0x40]  }
0x63: {  	v1 =	vld [tilespmem:s30+$0x50]  }
0x64: {  	s1 =	simm.s32 $0xAC80;
	v3 =	vld [tilespmem:s29+$0x50]  }
0x65: {  	s11 =	simm.s32 $0x12C60;
	s12 =	simm.s32 $0x2C80;
	s0 =	simm.s32 $0x0;
	v2 =	vld [tilespmem:s30+$0x40]  }
.LBB2_3:
0x66: {  	s0 =	sadd.s32 $0x4, s0;
	v4 =	vld [tilespmem:s29+$0x60];
	s30 =	sadd.s32 $0x100, s30;
	s12 =	sadd.s32 $0x100, s12  }
0x67: {  	p0 =	slt.u32 s0, $0x1FC;
	v5 =	vld [tilespmem:s1+$0x60]  }
0x68: {  	v6 =	vld [tilespmem:s29+$0x70];
	s29 =	smov.u32 s12  }
0x69: {  	v1 =	vmul.f32 v1, v3;
	v3 =	vld [tilespmem:s1+$0x70];
	s1 =	smov.u32 s30  }
0x6a: {  	v0 =	vmul.f32 v2, v0;
	_ =	sdelay $0x1  }
0x6b: {  	v0 =	vadd.f32 v1, v0;
	v1 =	vmul.f32 v5, v4;
	_ =	sdelay $0x1  }
0x6c: {  	v0 =	vadd.f32 v1, v0;
	v1 =	vmul.f32 v3, v6;
	_ =	sdelay $0x1  }
0x6d: {  	v0 =	vadd.f32 v1, v0;
	_ =	sdelay $0x1  }
0x6e: {  	[tilespmem:s31+$0x10] =	vst v0;
	s31 =	smov.u32 s11  }
0x6f: {  	v0 =	vld [tilespmem:s12+$0xFFFFFF80]  }
0x70: {  	v1 =	vld [tilespmem:s30+$0xFFFFFF80]  }
0x71: {  	v2 =	vld [tilespmem:s12+$0xFFFFFF90]  }
0x72: {  	v3 =	vld [tilespmem:s30+$0xFFFFFF90]  }
0x73: {  	v4 =	vld [tilespmem:s30+$0xFFFFFFA0]  }
0x74: {  	v5 =	vld [tilespmem:s12+$0xFFFFFFA0]  }
0x75: {  	v6 =	vld [tilespmem:s30+$0xFFFFFFB0]  }
0x76: {  	v7 =	vld [tilespmem:s12+$0xFFFFFFB0]  }
0x77: {  	v0 =	vmul.f32 v1, v0;
	v1 =	vmul.f32 v3, v2;
	_ =	sdelay $0x1  }
0x78: {  	v0 =	vadd.f32 v1, v0;
	v1 =	vmul.f32 v4, v5;
	_ =	sdelay $0x1  }
0x79: {  	v0 =	vadd.f32 v1, v0;
	v1 =	vmul.f32 v6, v7;
	_ =	sdelay $0x1  }
0x7a: {  	v0 =	vadd.f32 v1, v0;
	_ =	sdelay $0x1  }
0x7b: {  	[tilespmem:s11+$0xFFFFFFE0] =	vst v0  }
0x7c: {  	v0 =	vld [tilespmem:s12+$0xFFFFFFC0]  }
0x7d: {  	v1 =	vld [tilespmem:s30+$0xFFFFFFC0]  }
0x7e: {  	v2 =	vld [tilespmem:s30+$0xFFFFFFE0];
	_ =	sdelay $0x1  }
0x7f: {  	v3 =	vld [tilespmem:s30+$0xFFFFFFD0]  }
0x80: {  	v4 =	vld [tilespmem:s12+$0xFFFFFFD0]  }
0x81: {  	v0 =	vmul.f32 v1, v0  }
0x82: {  	v1 =	vld [tilespmem:s12+$0xFFFFFFE0]  }
0x83: {  	v5 =	vld [tilespmem:s30+$0xFFFFFFF0]  }
0x84: {  	v6 =	vld [tilespmem:s12+$0xFFFFFFF0]  }
0x85: {  	v3 =	vmul.f32 v3, v4;
	_ =	sdelay $0x1  }
0x86: {  	v0 =	vadd.f32 v3, v0;
	v1 =	vmul.f32 v2, v1;
	_ =	sdelay $0x1  }
0x87: {  	v0 =	vadd.f32 v1, v0;
	v1 =	vmul.f32 v5, v6;
	_ =	sdelay $0x1  }
0x88: {  	v0 =	vadd.f32 v1, v0;
	_ =	sdelay $0x1  }
0x89: {  	[tilespmem:s11+$0xFFFFFFF0] =	vst v0  }
0x8a: {  	v0 =	vld [tilespmem:s12+$0x0]  }
0x8b: {  	v1 =	vld [tilespmem:s30+$0x0]  }
0x8c: {  	v2 =	vld [tilespmem:s30+$0x10];
	_ =	sdelay $0x1  }
0x8d: {  	v3 =	vld [tilespmem:s12+$0x10]  }
0x8e: {  	v4 =	vld [tilespmem:s30+$0x20]  }
0x8f: {  	v0 =	vmul.f32 v1, v0;
	v1 =	vld [tilespmem:s12+$0x20]  }
0x90: {  	v5 =	vld [tilespmem:s30+$0x30]  }
0x91: {  	v6 =	vld [tilespmem:s12+$0x30]  }
0x92: {  	v2 =	vmul.f32 v2, v3;
	_ =	sdelay $0x1  }
0x93: {  	v0 =	vadd.f32 v2, v0;
	v1 =	vmul.f32 v4, v1;
	_ =	sdelay $0x1  }
0x94: {  	v0 =	vadd.f32 v1, v0;
	v1 =	vmul.f32 v5, v6;
	_ =	sdelay $0x1  }
0x95: {  	v0 =	vadd.f32 v1, v0;
	_ =	sdelay $0x1  }
.Ltmp0:
0x96: {  	[tilespmem:s11+$0x0] =	vst v0;
	(pc) =	sbr.rel @p0 .LBB2_3-.Ltmp0, $4  }
0x97: {  	v0 =	vld [tilespmem:s12+$0x40]  }
0x98: {  	v1 =	vld [tilespmem:s30+$0x50]  }
0x99: {  	v3 =	vld [tilespmem:s12+$0x50]  }
0x9a: {  	s11 =	sadd.s32 $0x40, s11;
	v2 =	vld [tilespmem:s30+$0x40]  }
0x9b: {  	v4 =	vld [tilespmem:s29+$0x60]  }
0x9c: {  	v5 =	vld [tilespmem:s1+$0x60]  }
0x9d: {  	v6 =	vld [tilespmem:s29+$0x70]  }
0x9e: {  	v7 =	vld [tilespmem:s1+$0x70]  }
0x9f: {  	v1 =	vmul.f32 v1, v3;
	v0 =	vmul.f32 v2, v0;
	_ =	sdelay $0x1  }
0xa0: {  	v62 =	vmul.f32 v5, v4;
	v0 =	vadd.f32 v1, v0;
	_ =	sdelay $0x1  }
0xa1: {  	v63 =	vmul.f32 v7, v6;
	v0 =	vadd.f32 v62, v0  }
0xa2: {  	s0 =	sshll.u32 s28, $0xD  }
0xa3: {  	s28 =	sadd.s32 $0x1, s28;
	s0 =	sadd.s32 s8, s0;
	v0 =	vadd.f32 v63, v0  }
0xa4: {  	p0 =	sne.s32 s28, $0x15;
	s0 =	sshrl.u32 s0, $0x3  }
.Ltmp1:
0xa5: {  	s0 =	sadd.s32 s5, s0;
	[tilespmem:s31+$0x10] =	vst v0;
	(pc) =	sbr.rel @p0 .LBB2_2-.Ltmp1, $4  }
0xa6: {  	[hbm4b:s0+s2] =	stream.linear.scatter [tilespmem:s25], [sflag:$0x2], $0x2000, $0x38;
	[tilespmem:$0x14C00] =	vst v63  }
0xa7: {  	_ =	swait.ge [sflag:s10], $0x2000  }
0xa8: {  	[sflag:s10] =	ssyncset.done $0x0  }
0xa9: {  	[sflag:s10] =	ssyncadd.s32 $0xFFFFE000  }
0xaa: {  	s26 =	sadd.s32 $0x1, s26  }
0xab: {  	p0 =	sne.s32 s26, s9  }
.Ltmp2:
0xac: {  	_ = 	snop;
	(pc) =	sbr.rel @p0 .LBB2_1-.Ltmp2, $1  }
0xad: {  	_ =	sdelay $0x3  }
0xae: {  	_ =	sfence.sel $0x180000  }
0xaf: {  	[bflag:$0x0] =	sbarrier.arrive $0xFFFF  }
0xb0: {  	_ =	strace $0x90000047  }
0xb1: {  	s0 =	stileid.u32;
	[bflag:$0x2] =	sbarrier.arrive $0xFFFF  }
0xb2: {  	p0 =	sne.s32 s0, $0x0;
	s0 =	rddreg [dreg:$0x2]  }
0xb3: {  	s0 =	sadd.s32 @!p0 $0x100000, s0  }
0xb4: {  	[sflag:s0] =	ssyncadd.tile.s32 @!p0 $0x1;
	_ =	shalt  }
.Lfunc_end2:
_tile_overlayer_lowered:
.L_overlay_start_2:
0xb5: {  	(tag) =	ssettag $0x2  }
0xb6: {  	s0 =	rddreg [dreg:$0x0];
	s2 =	stileid.u32  }
0xb7: {  	s1 =	rddreg [dreg:$0x1];
	p0 =	sne.s32 s2, $0x0  }
0xb8: {  	s3 =	rddreg [dreg:$0x2];
	[bflag:$0x3] =	sbarrier.arrive $0xFFFF;
	s2 =	simm.s32 @!p0 $0x1C02  }
0xb9: {  	[timem:s3], [sflag:s2] =	dma.local @!p0 [hbm:s0], s1  }
0xba: {  	s0 =	simm.s32 @!p0 $0x2  }
0xbb: {  	_ =	swait.ge @!p0 [sflag:s0], s1  }
0xbc: {  	s1 =	ssub.s32 @!p0 $0x0, s1;
	[sflag:s0] =	ssyncset.done @!p0 $0x0  }
0xbd: {  	[sflag:s0] =	ssyncadd.s32 @!p0 s1  }
0xbe: {  	[bflag:$0x3] =	sbarrier.arrive $0xFFFF  }
0xbf: {  	_ =	shalt  }

</sc_bundles>
